<compile_context>
chip_gen: v7x
topology: tpu7x:2x2x1
jax: 0.10.2.dev20260603
libtpu: 0.0.44.dev20260713+nightly
codegen_flags: <defaults>
</compile_context>

<pallas_src>
import jax
import jax.numpy as jnp
from jax import lax
from jax.experimental import pallas as pl
from jax.experimental.pallas import tpu as pltpu
from jax.experimental.pallas import tpu_sc as plsc

NUM_CORES = 2
NUM_SUBCORES = 16
LANES = 16
NW = NUM_CORES * NUM_SUBCORES

BATCH = 16384
EMBED_DIM = 32
BPW = BATCH // NW
CHUNK = 128
NCHUNKS = BPW // CHUNK
CGROUPS = CHUNK // LANES


def _cf_body(uidx_hbm, iidx_hbm, uemb_hbm, iemb_hbm,
             out_hbm, uidx_v, iidx_v, urows_v, irows_v,
             out_v, sem_u, sem_i):
    wid = lax.axis_index("c") * NUM_SUBCORES + lax.axis_index("s")
    base = wid * BPW

    pltpu.sync_copy(uidx_hbm.at[pl.ds(base, BPW)], uidx_v)
    pltpu.sync_copy(iidx_hbm.at[pl.ds(base, BPW)], iidx_v)

    lanes = lax.iota(jnp.int32, LANES)

    def chunk_body(c, carry):
        coff = c * CHUNK

        def issue_body(b, carry2):
            uvec = uidx_v[pl.ds(coff + b * LANES, LANES)]
            tvec = iidx_v[pl.ds(coff + b * LANES, LANES)]
            for lane in range(LANES):
                j = b * LANES + lane
                u = uvec[lane]
                t = tvec[lane]
                pltpu.async_copy(uemb_hbm.at[pl.ds(u, 1), :],
                                 urows_v.at[pl.ds(j, 1), :], sem_u)
                pltpu.async_copy(iemb_hbm.at[pl.ds(t, 1), :],
                                 irows_v.at[pl.ds(j, 1), :], sem_i)
            return carry2

        lax.fori_loop(0, CGROUPS, issue_body, 0)

        def drain_body(j, carry2):
            pltpu.make_async_copy(uemb_hbm.at[pl.ds(0, 1), :],
                                  urows_v.at[pl.ds(j, 1), :], sem_u).wait()
            pltpu.make_async_copy(iemb_hbm.at[pl.ds(0, 1), :],
                                  irows_v.at[pl.ds(j, 1), :], sem_i).wait()
            return carry2

        lax.fori_loop(0, CHUNK, drain_body, 0)

        def group_body(g, carry2):
            rows = lanes + g * LANES
            acc = jnp.zeros((LANES,), jnp.float32)
            for d in range(EMBED_DIM):
                col = jnp.full((LANES,), d, jnp.int32)
                u = plsc.load_gather(urows_v, [rows, col])
                v = plsc.load_gather(irows_v, [rows, col])
                acc = acc + u * v
            out_v[pl.ds(coff + g * LANES, LANES)] = acc
            return carry2

        lax.fori_loop(0, CGROUPS, group_body, 0)
        return carry

    lax.fori_loop(0, NCHUNKS, chunk_body, 0)

    pltpu.sync_copy(out_v, out_hbm.at[pl.ds(base, BPW)])


_cf_kernel = pl.kernel(
    _cf_body,
    out_type=jax.ShapeDtypeStruct((BATCH,), jnp.float32),
    mesh=plsc.VectorSubcoreMesh(core_axis_name="c", subcore_axis_name="s"),
    compiler_params=pltpu.CompilerParams(needs_layout_passes=False,
                                         use_tc_tiling_on_sc=True),
    scratch_types=[
        pltpu.VMEM((BPW,), jnp.int32),
        pltpu.VMEM((BPW,), jnp.int32),
        pltpu.VMEM((CHUNK, EMBED_DIM), jnp.float32),
        pltpu.VMEM((CHUNK, EMBED_DIM), jnp.float32),
        pltpu.VMEM((BPW,), jnp.float32),
        pltpu.SemaphoreType.DMA,
        pltpu.SemaphoreType.DMA,
    ],
)


@jax.jit
def kernel(user_indices, item_indices, user_emb_table, item_emb_table,
           user_bias_table, item_bias_table):
    del user_bias_table, item_bias_table
    return _cf_kernel(user_indices, item_indices, user_emb_table,
                      item_emb_table)

# --- scband reference (transcript-rebuilt; emitter-appended) ---
"""Pipeline reference for scband-cfmodel-24773371363497 (READ-ONLY COPY).

The authoritative reference and input builder live on the scoring server;
editing this copy changes nothing except your own understanding.
"""

import jax, jax.numpy as jnp
import numpy as np

N_USERS = 1000000
N_ITEMS = 1000000
EMBED_DIM = 32
BATCH = 16384

def setup_inputs(seed: int = 0) -> dict:
    key = jax.random.key(seed)
    k1, k2, k3, k4 = jax.random.split(key, 4)
    user_indices = jax.random.randint(k1, (BATCH,), 0, N_USERS, dtype=jnp.int64 if jax.config.jax_enable_x64 else jnp.int32).astype(jnp.int32)
    item_indices = jax.random.randint(k2, (BATCH,), 0, N_ITEMS, dtype=jnp.int32)
    user_emb_table = jax.random.normal(k3, (N_USERS, EMBED_DIM), dtype=jnp.float32) * 0.01
    item_emb_table = jax.random.normal(k4, (N_ITEMS, EMBED_DIM), dtype=jnp.float32) * 0.01
    user_bias_table = jnp.zeros((N_USERS, 1), dtype=jnp.float32)
    item_bias_table = jnp.zeros((N_ITEMS, 1), dtype=jnp.float32)
    return {
        'user_indices': user_indices,
        'item_indices': item_indices,
        'user_emb_table': user_emb_table,
        'item_emb_table': item_emb_table,
        'user_bias_table': user_bias_table,
        'item_bias_table': item_bias_table,
    }

def reference(user_indices, item_indices, user_emb_table, item_emb_table, user_bias_table, item_bias_table):
    user_embedding = jnp.take(user_emb_table, user_indices, axis=0)      # [B, D]
    item_embedding = jnp.take(item_emb_table, item_indices, axis=0)      # [B, D]
    dot_product = (user_embedding * item_embedding).sum(axis=1)          # [B]
    user_b = jnp.take(user_bias_table, user_indices, axis=0).squeeze(-1) # [B]
    item_b = jnp.take(item_bias_table, item_indices, axis=0).squeeze(-1) # [B]
    prediction = dot_product + user_b + item_b
    return prediction

if __name__ == "__main__":
    import jax
    _d = setup_inputs()
    print(jax.jit(kernel)(*tuple(_d.values())))

</pallas_src>

<mosaic_0001>
#map = affine_map<(d0, d1) -> (0)>
#map1 = affine_map<(d0, d1) -> (0, 0)>
module attributes {stable_mosaic.version = 14 : i64} {
  func.func @_cf_body(%arg0: i32, %arg1: i32, %arg2: memref<16384xi32, #tpu.memory_space<hbm>>, %arg3: memref<16384xi32, #tpu.memory_space<hbm>>, %arg4: memref<1000000x32xf32, #tpu.memory_space<hbm>>, %arg5: memref<1000000x32xf32, #tpu.memory_space<hbm>>, %arg6: memref<16384xf32, #tpu.memory_space<hbm>>, %arg7: memref<512xi32, #tpu.memory_space<vmem>>, %arg8: memref<512xi32, #tpu.memory_space<vmem>>, %arg9: memref<128x32xf32, #tpu.memory_space<vmem>>, %arg10: memref<128x32xf32, #tpu.memory_space<vmem>>, %arg11: memref<512xf32, #tpu.memory_space<vmem>>, %arg12: memref<!tpu.dma_semaphore, #tpu.memory_space<semaphore_mem>>, %arg13: memref<!tpu.dma_semaphore, #tpu.memory_space<semaphore_mem>>) attributes {dimension_semantics = [#tpu.dimension_semantics<core_parallel>, #tpu.dimension_semantics<subcore_parallel>], iteration_bounds = array<i64: 2, 16>, scalar_prefetch = 0 : i64, scratch_operands = 7 : i64, tpu.core_type = #tpu.core_type<sc_vector_subcore>, window_params = [{transform_indices = #map}, {transform_indices = #map}, {transform_indices = #map1}, {transform_indices = #map1}, {transform_indices = #map}]} {
    %mul3A = arith.constant 16 : i32
    %mul3A_0 = arith.muli %arg0, %mul3A : i32
    %add3A = arith.addi %mul3A_0, %arg1 : i32
    %mul3A_1 = arith.constant 512 : i32
    %mul3A_2 = arith.muli %add3A, %mul3A_1 : i32
    "tpu.region"() ({
      %run_scoped3A = tpu.sem_alloc : memref<!tpu.dma_semaphore, #tpu.memory_space<semaphore_mem>>
      %dma_start3A = tpu.memref_slice %arg2[%mul3A_2] : memref<16384xi32, #tpu.memory_space<hbm>> -> memref<512xi32, #tpu.memory_space<hbm>>
      %dma_start3A_8 = tpu.memref_slice %arg2[%mul3A_2] : memref<16384xi32, #tpu.memory_space<hbm>> -> memref<512xi32, #tpu.memory_space<hbm>>
      tpu.enqueue_dma source(%dma_start3A_8 : memref<512xi32, #tpu.memory_space<hbm>>) target(%arg7 : memref<512xi32, #tpu.memory_space<vmem>>) target_semaphore(%run_scoped3A : memref<!tpu.dma_semaphore, #tpu.memory_space<semaphore_mem>>)
      %dma_wait3A = tpu.memref_slice %arg2[%mul3A_2] : memref<16384xi32, #tpu.memory_space<hbm>> -> memref<512xi32, #tpu.memory_space<hbm>>
      %dma_wait3A_9 = tpu.memref_slice %arg2[%mul3A_2] : memref<16384xi32, #tpu.memory_space<hbm>> -> memref<512xi32, #tpu.memory_space<hbm>>
      tpu.wait_dma2 semaphore(%run_scoped3A : memref<!tpu.dma_semaphore, #tpu.memory_space<semaphore_mem>>) src(%dma_wait3A_9 : memref<512xi32, #tpu.memory_space<hbm>>) dst(%arg7 : memref<512xi32, #tpu.memory_space<vmem>>)
      tpu.yield
    }) : () -> ()
    "tpu.region"() ({
      %run_scoped3A = tpu.sem_alloc : memref<!tpu.dma_semaphore, #tpu.memory_space<semaphore_mem>>
      %dma_start3A = tpu.memref_slice %arg3[%mul3A_2] : memref<16384xi32, #tpu.memory_space<hbm>> -> memref<512xi32, #tpu.memory_space<hbm>>
      %dma_start3A_8 = tpu.memref_slice %arg3[%mul3A_2] : memref<16384xi32, #tpu.memory_space<hbm>> -> memref<512xi32, #tpu.memory_space<hbm>>
      tpu.enqueue_dma source(%dma_start3A_8 : memref<512xi32, #tpu.memory_space<hbm>>) target(%arg8 : memref<512xi32, #tpu.memory_space<vmem>>) target_semaphore(%run_scoped3A : memref<!tpu.dma_semaphore, #tpu.memory_space<semaphore_mem>>)
      %dma_wait3A = tpu.memref_slice %arg3[%mul3A_2] : memref<16384xi32, #tpu.memory_space<hbm>> -> memref<512xi32, #tpu.memory_space<hbm>>
      %dma_wait3A_9 = tpu.memref_slice %arg3[%mul3A_2] : memref<16384xi32, #tpu.memory_space<hbm>> -> memref<512xi32, #tpu.memory_space<hbm>>
      tpu.wait_dma2 semaphore(%run_scoped3A : memref<!tpu.dma_semaphore, #tpu.memory_space<semaphore_mem>>) src(%dma_wait3A_9 : memref<512xi32, #tpu.memory_space<hbm>>) dst(%arg8 : memref<512xi32, #tpu.memory_space<vmem>>)
      tpu.yield
    }) : () -> ()
    %iota3A = tpu.iota {dimensions = array<i32: 0>} : vector<16xi32>
    %scan3A = arith.constant 0 : i32
    %scan3A_3 = arith.constant 0 : i32
    %scan3A_4 = arith.constant 4 : i32
    %scan3A_5 = arith.addi %scan3A_3, %scan3A_4 : i32
    %scan3A_6 = arith.constant 1 : i32
    scf.for %scan3A_8 = %scan3A_3 to %scan3A_5 step %scan3A_6  : i32 {
      %mul3A_9 = arith.constant 128 : i32
      %mul3A_10 = arith.muli %scan3A_8, %mul3A_9 : i32
      %scan3A_11 = arith.constant 0 : i32
      %scan3A_12 = arith.constant 0 : i32
      %scan3A_13 = arith.constant 8 : i32
      %scan3A_14 = arith.addi %scan3A_12, %scan3A_13 : i32
      %scan3A_15 = arith.constant 1 : i32
      scf.for %scan3A_29 = %scan3A_12 to %scan3A_14 step %scan3A_15  : i32 {
        %mul3A_30 = arith.constant 16 : i32
        %mul3A_31 = arith.muli %scan3A_29, %mul3A_30 : i32
        %add3A_32 = arith.addi %mul3A_10, %mul3A_31 : i32
        %get3A = arith.index_cast %add3A_32 : i32 to index
        %get3A_33 = tpu.vector_load %arg7[%get3A] {strides = array<i32>} : memref<512xi32, #tpu.memory_space<vmem>>, vector<16xi32>,
        %mul3A_34 = arith.constant 16 : i32
        %mul3A_35 = arith.muli %scan3A_29, %mul3A_34 : i32
        %add3A_36 = arith.addi %mul3A_10, %mul3A_35 : i32
        %get3A_37 = arith.index_cast %add3A_36 : i32 to index
        %get3A_38 = tpu.vector_load %arg8[%get3A_37] {strides = array<i32>} : memref<512xi32, #tpu.memory_space<vmem>>, vector<16xi32>,
        %mul3A_39 = arith.constant 16 : i32
        %mul3A_40 = arith.muli %scan3A_29, %mul3A_39 : i32
        %add3A_41 = arith.constant 0 : i32
        %add3A_42 = arith.addi %mul3A_40, %add3A_41 : i32
        %slice3A = vector.extract_strided_slice %get3A_33 {offsets = [0], sizes = [1], strides = [1]} : vector<16xi32> to vector<1xi32>
        %squeeze3A = vector.extract %slice3A[0] : i32 from vector<1xi32>
        %slice3A_43 = vector.extract_strided_slice %get3A_38 {offsets = [0], sizes = [1], strides = [1]} : vector<16xi32> to vector<1xi32>
        %squeeze3A_44 = vector.extract %slice3A_43[0] : i32 from vector<1xi32>
        %dma_start3A = arith.constant 0 : i32
        %dma_start3A_45 = tpu.memref_slice %arg9[%add3A_42, %dma_start3A] : memref<128x32xf32, #tpu.memory_space<vmem>> -> memref<1x32xf32, #tpu.memory_space<vmem>>
        %dma_start3A_46 = arith.constant 0 : i32
        %dma_start3A_47 = tpu.memref_slice %arg4[%squeeze3A, %dma_start3A_46] : memref<1000000x32xf32, #tpu.memory_space<hbm>> -> memref<1x32xf32, #tpu.memory_space<hbm>>
        %dma_start3A_48 = arith.constant 0 : i32
        %dma_start3A_49 = tpu.memref_slice %arg9[%add3A_42, %dma_start3A_48] : memref<128x32xf32, #tpu.memory_space<vmem>> -> memref<1x32xf32, #tpu.memory_space<vmem>>
        %dma_start3A_50 = arith.constant 0 : i32
        %dma_start3A_51 = tpu.memref_slice %arg4[%squeeze3A, %dma_start3A_50] : memref<1000000x32xf32, #tpu.memory_space<hbm>> -> memref<1x32xf32, #tpu.memory_space<hbm>>
        tpu.enqueue_dma source(%dma_start3A_51 : memref<1x32xf32, #tpu.memory_space<hbm>>) target(%dma_start3A_49 : memref<1x32xf32, #tpu.memory_space<vmem>>) target_semaphore(%arg12 : memref<!tpu.dma_semaphore, #tpu.memory_space<semaphore_mem>>)
        %dma_start3A_52 = arith.constant 0 : i32
        %dma_start3A_53 = tpu.memref_slice %arg10[%add3A_42, %dma_start3A_52] : memref<128x32xf32, #tpu.memory_space<vmem>> -> memref<1x32xf32, #tpu.memory_space<vmem>>
        %dma_start3A_54 = arith.constant 0 : i32
        %dma_start3A_55 = tpu.memref_slice %arg5[%squeeze3A_44, %dma_start3A_54] : memref<1000000x32xf32, #tpu.memory_space<hbm>> -> memref<1x32xf32, #tpu.memory_space<hbm>>
        %dma_start3A_56 = arith.constant 0 : i32
        %dma_start3A_57 = tpu.memref_slice %arg10[%add3A_42, %dma_start3A_56] : memref<128x32xf32, #tpu.memory_space<vmem>> -> memref<1x32xf32, #tpu.memory_space<vmem>>
        %dma_start3A_58 = arith.constant 0 : i32
        %dma_start3A_59 = tpu.memref_slice %arg5[%squeeze3A_44, %dma_start3A_58] : memref<1000000x32xf32, #tpu.memory_space<hbm>> -> memref<1x32xf32, #tpu.memory_space<hbm>>
        tpu.enqueue_dma source(%dma_start3A_59 : memref<1x32xf32, #tpu.memory_space<hbm>>) target(%dma_start3A_57 : memref<1x32xf32, #tpu.memory_space<vmem>>) target_semaphore(%arg13 : memref<!tpu.dma_semaphore, #tpu.memory_space<semaphore_mem>>)
        %mul3A_60 = arith.constant 16 : i32
        %mul3A_61 = arith.muli %scan3A_29, %mul3A_60 : i32
        %add3A_62 = arith.constant 1 : i32
        %add3A_63 = arith.addi %mul3A_61, %add3A_62 : i32
        %slice3A_64 = vector.extract_strided_slice %get3A_33 {offsets = [1], sizes = [1], strides = [1]} : vector<16xi32> to vector<1xi32>
        %squeeze3A_65 = vector.extract %slice3A_64[0] : i32 from vector<1xi32>
        %slice3A_66 = vector.extract_strided_slice %get3A_38 {offsets = [1], sizes = [1], strides = [1]} : vector<16xi32> to vector<1xi32>
        %squeeze3A_67 = vector.extract %slice3A_66[0] : i32 from vector<1xi32>
        %dma_start3A_68 = arith.constant 0 : i32
        %dma_start3A_69 = tpu.memref_slice %arg9[%add3A_63, %dma_start3A_68] : memref<128x32xf32, #tpu.memory_space<vmem>> -> memref<1x32xf32, #tpu.memory_space<vmem>>
        %dma_start3A_70 = arith.constant 0 : i32
        %dma_start3A_71 = tpu.memref_slice %arg4[%squeeze3A_65, %dma_start3A_70] : memref<1000000x32xf32, #tpu.memory_space<hbm>> -> memref<1x32xf32, #tpu.memory_space<hbm>>
        %dma_start3A_72 = arith.constant 0 : i32
        %dma_start3A_73 = tpu.memref_slice %arg9[%add3A_63, %dma_start3A_72] : memref<128x32xf32, #tpu.memory_space<vmem>> -> memref<1x32xf32, #tpu.memory_space<vmem>>
        %dma_start3A_74 = arith.constant 0 : i32
        %dma_start3A_75 = tpu.memref_slice %arg4[%squeeze3A_65, %dma_start3A_74] : memref<1000000x32xf32, #tpu.memory_space<hbm>> -> memref<1x32xf32, #tpu.memory_space<hbm>>
        tpu.enqueue_dma source(%dma_start3A_75 : memref<1x32xf32, #tpu.memory_space<hbm>>) target(%dma_start3A_73 : memref<1x32xf32, #tpu.memory_space<vmem>>) target_semaphore(%arg12 : memref<!tpu.dma_semaphore, #tpu.memory_space<semaphore_mem>>)
        %dma_start3A_76 = arith.constant 0 : i32
        %dma_start3A_77 = tpu.memref_slice %arg10[%add3A_63, %dma_start3A_76] : memref<128x32xf32, #tpu.memory_space<vmem>> -> memref<1x32xf32, #tpu.memory_space<vmem>>
        %dma_start3A_78 = arith.constant 0 : i32
        %dma_start3A_79 = tpu.memref_slice %arg5[%squeeze3A_67, %dma_start3A_78] : memref<1000000x32xf32, #tpu.memory_space<hbm>> -> memref<1x32xf32, #tpu.memory_space<hbm>>
        %dma_start3A_80 = arith.constant 0 : i32
        %dma_start3A_81 = tpu.memref_slice %arg10[%add3A_63, %dma_start3A_80] : memref<128x32xf32, #tpu.memory_space<vmem>> -> memref<1x32xf32, #tpu.memory_space<vmem>>
        %dma_start3A_82 = arith.constant 0 : i32
        %dma_start3A_83 = tpu.memref_slice %arg5[%squeeze3A_67, %dma_start3A_82] : memref<1000000x32xf32, #tpu.memory_space<hbm>> -> memref<1x32xf32, #tpu.memory_space<hbm>>
        tpu.enqueue_dma source(%dma_start3A_83 : memref<1x32xf32, #tpu.memory_space<hbm>>) target(%dma_start3A_81 : memref<1x32xf32, #tpu.memory_space<vmem>>) target_semaphore(%arg13 : memref<!tpu.dma_semaphore, #tpu.memory_space<semaphore_mem>>)
        %mul3A_84 = arith.constant 16 : i32
        %mul3A_85 = arith.muli %scan3A_29, %mul3A_84 : i32
        %add3A_86 = arith.constant 2 : i32
        %add3A_87 = arith.addi %mul3A_85, %add3A_86 : i32
        %slice3A_88 = vector.extract_strided_slice %get3A_33 {offsets = [2], sizes = [1], strides = [1]} : vector<16xi32> to vector<1xi32>
        %squeeze3A_89 = vector.extract %slice3A_88[0] : i32 from vector<1xi32>
        %slice3A_90 = vector.extract_strided_slice %get3A_38 {offsets = [2], sizes = [1], strides = [1]} : vector<16xi32> to vector<1xi32>
        %squeeze3A_91 = vector.extract %slice3A_90[0] : i32 from vector<1xi32>
        %dma_start3A_92 = arith.constant 0 : i32
        %dma_start3A_93 = tpu.memref_slice %arg9[%add3A_87, %dma_start3A_92] : memref<128x32xf32, #tpu.memory_space<vmem>> -> memref<1x32xf32, #tpu.memory_space<vmem>>
        %dma_start3A_94 = arith.constant 0 : i32
        %dma_start3A_95 = tpu.memref_slice %arg4[%squeeze3A_89, %dma_start3A_94] : memref<1000000x32xf32, #tpu.memory_space<hbm>> -> memref<1x32xf32, #tpu.memory_space<hbm>>
        %dma_start3A_96 = arith.constant 0 : i32
        %dma_start3A_97 = tpu.memref_slice %arg9[%add3A_87, %dma_start3A_96] : memref<128x32xf32, #tpu.memory_space<vmem>> -> memref<1x32xf32, #tpu.memory_space<vmem>>
        %dma_start3A_98 = arith.constant 0 : i32
        %dma_start3A_99 = tpu.memref_slice %arg4[%squeeze3A_89, %dma_start3A_98] : memref<1000000x32xf32, #tpu.memory_space<hbm>> -> memref<1x32xf32, #tpu.memory_space<hbm>>
        tpu.enqueue_dma source(%dma_start3A_99 : memref<1x32xf32, #tpu.memory_space<hbm>>) target(%dma_start3A_97 : memref<1x32xf32, #tpu.memory_space<vmem>>) target_semaphore(%arg12 : memref<!tpu.dma_semaphore, #tpu.memory_space<semaphore_mem>>)
        %dma_start3A_100 = arith.constant 0 : i32
        %dma_start3A_101 = tpu.memref_slice %arg10[%add3A_87, %dma_start3A_100] : memref<128x32xf32, #tpu.memory_space<vmem>> -> memref<1x32xf32, #tpu.memory_space<vmem>>
        %dma_start3A_102 = arith.constant 0 : i32
        %dma_start3A_103 = tpu.memref_slice %arg5[%squeeze3A_91, %dma_start3A_102] : memref<1000000x32xf32, #tpu.memory_space<hbm>> -> memref<1x32xf32, #tpu.memory_space<hbm>>
        %dma_start3A_104 = arith.constant 0 : i32
        %dma_start3A_105 = tpu.memref_slice %arg10[%add3A_87, %dma_start3A_104] : memref<128x32xf32, #tpu.memory_space<vmem>> -> memref<1x32xf32, #tpu.memory_space<vmem>>
        %dma_start3A_106 = arith.constant 0 : i32
        %dma_start3A_107 = tpu.memref_slice %arg5[%squeeze3A_91, %dma_start3A_106] : memref<1000000x32xf32, #tpu.memory_space<hbm>> -> memref<1x32xf32, #tpu.memory_space<hbm>>
        tpu.enqueue_dma source(%dma_start3A_107 : memref<1x32xf32, #tpu.memory_space<hbm>>) target(%dma_start3A_105 : memref<1x32xf32, #tpu.memory_space<vmem>>) target_semaphore(%arg13 : memref<!tpu.dma_semaphore, #tpu.memory_space<semaphore_mem>>)
        %mul3A_108 = arith.constant 16 : i32
        %mul3A_109 = arith.muli %scan3A_29, %mul3A_108 : i32
        %add3A_110 = arith.constant 3 : i32
        %add3A_111 = arith.addi %mul3A_109, %add3A_110 : i32
        %slice3A_112 = vector.extract_strided_slice %get3A_33 {offsets = [3], sizes = [1], strides = [1]} : vector<16xi32> to vector<1xi32>
        %squeeze3A_113 = vector.extract %slice3A_112[0] : i32 from vector<1xi32>
        %slice3A_114 = vector.extract_strided_slice %get3A_38 {offsets = [3], sizes = [1], strides = [1]} : vector<16xi32> to vector<1xi32>
        %squeeze3A_115 = vector.extract %slice3A_114[0] : i32 from vector<1xi32>
        %dma_start3A_116 = arith.constant 0 : i32
        %dma_start3A_117 = tpu.memref_slice %arg9[%add3A_111, %dma_start3A_116] : memref<128x32xf32, #tpu.memory_space<vmem>> -> memref<1x32xf32, #tpu.memory_space<vmem>>
        %dma_start3A_118 = arith.constant 0 : i32
        %dma_start3A_119 = tpu.memref_slice %arg4[%squeeze3A_113, %dma_start3A_118] : memref<1000000x32xf32, #tpu.memory_space<hbm>> -> memref<1x32xf32, #tpu.memory_space<hbm>>
        %dma_start3A_120 = arith.constant 0 : i32
        %dma_start3A_121 = tpu.memref_slice %arg9[%add3A_111, %dma_start3A_120] : memref<128x32xf32, #tpu.memory_space<vmem>> -> memref<1x32xf32, #tpu.memory_space<vmem>>
        %dma_start3A_122 = arith.constant 0 : i32
        %dma_start3A_123 = tpu.memref_slice %arg4[%squeeze3A_113, %dma_start3A_122] : memref<1000000x32xf32, #tpu.memory_space<hbm>> -> memref<1x32xf32, #tpu.memory_space<hbm>>
        tpu.enqueue_dma source(%dma_start3A_123 : memref<1x32xf32, #tpu.memory_space<hbm>>) target(%dma_start3A_121 : memref<1x32xf32, #tpu.memory_space<vmem>>) target_semaphore(%arg12 : memref<!tpu.dma_semaphore, #tpu.memory_space<semaphore_mem>>)
        %dma_start3A_124 = arith.constant 0 : i32
        %dma_start3A_125 = tpu.memref_slice %arg10[%add3A_111, %dma_start3A_124] : memref<128x32xf32, #tpu.memory_space<vmem>> -> memref<1x32xf32, #tpu.memory_space<vmem>>
        %dma_start3A_126 = arith.constant 0 : i32
        %dma_start3A_127 = tpu.memref_slice %arg5[%squeeze3A_115, %dma_start3A_126] : memref<1000000x32xf32, #tpu.memory_space<hbm>> -> memref<1x32xf32, #tpu.memory_space<hbm>>
        %dma_start3A_128 = arith.constant 0 : i32
        %dma_start3A_129 = tpu.memref_slice %arg10[%add3A_111, %dma_start3A_128] : memref<128x32xf32, #tpu.memory_space<vmem>> -> memref<1x32xf32, #tpu.memory_space<vmem>>
        %dma_start3A_130 = arith.constant 0 : i32
        %dma_start3A_131 = tpu.memref_slice %arg5[%squeeze3A_115, %dma_start3A_130] : memref<1000000x32xf32, #tpu.memory_space<hbm>> -> memref<1x32xf32, #tpu.memory_space<hbm>>
        tpu.enqueue_dma source(%dma_start3A_131 : memref<1x32xf32, #tpu.memory_space<hbm>>) target(%dma_start3A_129 : memref<1x32xf32, #tpu.memory_space<vmem>>) target_semaphore(%arg13 : memref<!tpu.dma_semaphore, #tpu.memory_space<semaphore_mem>>)
        %mul3A_132 = arith.constant 16 : i32
        %mul3A_133 = arith.muli %scan3A_29, %mul3A_132 : i32
        %add3A_134 = arith.constant 4 : i32
        %add3A_135 = arith.addi %mul3A_133, %add3A_134 : i32
        %slice3A_136 = vector.extract_strided_slice %get3A_33 {offsets = [4], sizes = [1], strides = [1]} : vector<16xi32> to vector<1xi32>
        %squeeze3A_137 = vector.extract %slice3A_136[0] : i32 from vector<1xi32>
        %slice3A_138 = vector.extract_strided_slice %get3A_38 {offsets = [4], sizes = [1], strides = [1]} : vector<16xi32> to vector<1xi32>
        %squeeze3A_139 = vector.extract %slice3A_138[0] : i32 from vector<1xi32>
        %dma_start3A_140 = arith.constant 0 : i32
        %dma_start3A_141 = tpu.memref_slice %arg9[%add3A_135, %dma_start3A_140] : memref<128x32xf32, #tpu.memory_space<vmem>> -> memref<1x32xf32, #tpu.memory_space<vmem>>
        %dma_start3A_142 = arith.constant 0 : i32
        %dma_start3A_143 = tpu.memref_slice %arg4[%squeeze3A_137, %dma_start3A_142] : memref<1000000x32xf32, #tpu.memory_space<hbm>> -> memref<1x32xf32, #tpu.memory_space<hbm>>
        %dma_start3A_144 = arith.constant 0 : i32
        %dma_start3A_145 = tpu.memref_slice %arg9[%add3A_135, %dma_start3A_144] : memref<128x32xf32, #tpu.memory_space<vmem>> -> memref<1x32xf32, #tpu.memory_space<vmem>>
        %dma_start3A_146 = arith.constant 0 : i32
        %dma_start3A_147 = tpu.memref_slice %arg4[%squeeze3A_137, %dma_start3A_146] : memref<1000000x32xf32, #tpu.memory_space<hbm>> -> memref<1x32xf32, #tpu.memory_space<hbm>>
        tpu.enqueue_dma source(%dma_start3A_147 : memref<1x32xf32, #tpu.memory_space<hbm>>) target(%dma_start3A_145 : memref<1x32xf32, #tpu.memory_space<vmem>>) target_semaphore(%arg12 : memref<!tpu.dma_semaphore, #tpu.memory_space<semaphore_mem>>)
        %dma_start3A_148 = arith.constant 0 : i32
        %dma_start3A_149 = tpu.memref_slice %arg10[%add3A_135, %dma_start3A_148] : memref<128x32xf32, #tpu.memory_space<vmem>> -> memref<1x32xf32, #tpu.memory_space<vmem>>
        %dma_start3A_150 = arith.constant 0 : i32
        %dma_start3A_151 = tpu.memref_slice %arg5[%squeeze3A_139, %dma_start3A_150] : memref<1000000x32xf32, #tpu.memory_space<hbm>> -> memref<1x32xf32, #tpu.memory_space<hbm>>
        %dma_start3A_152 = arith.constant 0 : i32
        %dma_start3A_153 = tpu.memref_slice %arg10[%add3A_135, %dma_start3A_152] : memref<128x32xf32, #tpu.memory_space<vmem>> -> memref<1x32xf32, #tpu.memory_space<vmem>>
        %dma_start3A_154 = arith.constant 0 : i32
        %dma_start3A_155 = tpu.memref_slice %arg5[%squeeze3A_139, %dma_start3A_154] : memref<1000000x32xf32, #tpu.memory_space<hbm>> -> memref<1x32xf32, #tpu.memory_space<hbm>>
        tpu.enqueue_dma source(%dma_start3A_155 : memref<1x32xf32, #tpu.memory_space<hbm>>) target(%dma_start3A_153 : memref<1x32xf32, #tpu.memory_space<vmem>>) target_semaphore(%arg13 : memref<!tpu.dma_semaphore, #tpu.memory_space<semaphore_mem>>)
        %mul3A_156 = arith.constant 16 : i32
        %mul3A_157 = arith.muli %scan3A_29, %mul3A_156 : i32
        %add3A_158 = arith.constant 5 : i32
        %add3A_159 = arith.addi %mul3A_157, %add3A_158 : i32
        %slice3A_160 = vector.extract_strided_slice %get3A_33 {offsets = [5], sizes = [1], strides = [1]} : vector<16xi32> to vector<1xi32>
        %squeeze3A_161 = vector.extract %slice3A_160[0] : i32 from vector<1xi32>
        %slice3A_162 = vector.extract_strided_slice %get3A_38 {offsets = [5], sizes = [1], strides = [1]} : vector<16xi32> to vector<1xi32>
        %squeeze3A_163 = vector.extract %slice3A_162[0] : i32 from vector<1xi32>
        %dma_start3A_164 = arith.constant 0 : i32
        %dma_start3A_165 = tpu.memref_slice %arg9[%add3A_159, %dma_start3A_164] : memref<128x32xf32, #tpu.memory_space<vmem>> -> memref<1x32xf32, #tpu.memory_space<vmem>>
        %dma_start3A_166 = arith.constant 0 : i32
        %dma_start3A_167 = tpu.memref_slice %arg4[%squeeze3A_161, %dma_start3A_166] : memref<1000000x32xf32, #tpu.memory_space<hbm>> -> memref<1x32xf32, #tpu.memory_space<hbm>>
        %dma_start3A_168 = arith.constant 0 : i32
        %dma_start3A_169 = tpu.memref_slice %arg9[%add3A_159, %dma_start3A_168] : memref<128x32xf32, #tpu.memory_space<vmem>> -> memref<1x32xf32, #tpu.memory_space<vmem>>
        %dma_start3A_170 = arith.constant 0 : i32
        %dma_start3A_171 = tpu.memref_slice %arg4[%squeeze3A_161, %dma_start3A_170] : memref<1000000x32xf32, #tpu.memory_space<hbm>> -> memref<1x32xf32, #tpu.memory_space<hbm>>
        tpu.enqueue_dma source(%dma_start3A_171 : memref<1x32xf32, #tpu.memory_space<hbm>>) target(%dma_start3A_169 : memref<1x32xf32, #tpu.memory_space<vmem>>) target_semaphore(%arg12 : memref<!tpu.dma_semaphore, #tpu.memory_space<semaphore_mem>>)
        %dma_start3A_172 = arith.constant 0 : i32
        %dma_start3A_173 = tpu.memref_slice %arg10[%add3A_159, %dma_start3A_172] : memref<128x32xf32, #tpu.memory_space<vmem>> -> memref<1x32xf32, #tpu.memory_space<vmem>>
        %dma_start3A_174 = arith.constant 0 : i32
        %dma_start3A_175 = tpu.memref_slice %arg5[%squeeze3A_163, %dma_start3A_174] : memref<1000000x32xf32, #tpu.memory_space<hbm>> -> memref<1x32xf32, #tpu.memory_space<hbm>>
        %dma_start3A_176 = arith.constant 0 : i32
        %dma_start3A_177 = tpu.memref_slice %arg10[%add3A_159, %dma_start3A_176] : memref<128x32xf32, #tpu.memory_space<vmem>> -> memref<1x32xf32, #tpu.memory_space<vmem>>
        %dma_start3A_178 = arith.constant 0 : i32
        %dma_start3A_179 = tpu.memref_slice %arg5[%squeeze3A_163, %dma_start3A_178] : memref<1000000x32xf32, #tpu.memory_space<hbm>> -> memref<1x32xf32, #tpu.memory_space<hbm>>
        tpu.enqueue_dma source(%dma_start3A_179 : memref<1x32xf32, #tpu.memory_space<hbm>>) target(%dma_start3A_177 : memref<1x32xf32, #tpu.memory_space<vmem>>) target_semaphore(%arg13 : memref<!tpu.dma_semaphore, #tpu.memory_space<semaphore_mem>>)
        %mul3A_180 = arith.constant 16 : i32
        %mul3A_181 = arith.muli %scan3A_29, %mul3A_180 : i32
        %add3A_182 = arith.constant 6 : i32
        %add3A_183 = arith.addi %mul3A_181, %add3A_182 : i32
        %slice3A_184 = vector.extract_strided_slice %get3A_33 {offsets = [6], sizes = [1], strides = [1]} : vector<16xi32> to vector<1xi32>
        %squeeze3A_185 = vector.extract %slice3A_184[0] : i32 from vector<1xi32>
        %slice3A_186 = vector.extract_strided_slice %get3A_38 {offsets = [6], sizes = [1], strides = [1]} : vector<16xi32> to vector<1xi32>
        %squeeze3A_187 = vector.extract %slice3A_186[0] : i32 from vector<1xi32>
        %dma_start3A_188 = arith.constant 0 : i32
        %dma_start3A_189 = tpu.memref_slice %arg9[%add3A_183, %dma_start3A_188] : memref<128x32xf32, #tpu.memory_space<vmem>> -> memref<1x32xf32, #tpu.memory_space<vmem>>
        %dma_start3A_190 = arith.constant 0 : i32
        %dma_start3A_191 = tpu.memref_slice %arg4[%squeeze3A_185, %dma_start3A_190] : memref<1000000x32xf32, #tpu.memory_space<hbm>> -> memref<1x32xf32, #tpu.memory_space<hbm>>
        %dma_start3A_192 = arith.constant 0 : i32
        %dma_start3A_193 = tpu.memref_slice %arg9[%add3A_183, %dma_start3A_192] : memref<128x32xf32, #tpu.memory_space<vmem>> -> memref<1x32xf32, #tpu.memory_space<vmem>>
        %dma_start3A_194 = arith.constant 0 : i32
        %dma_start3A_195 = tpu.memref_slice %arg4[%squeeze3A_185, %dma_start3A_194] : memref<1000000x32xf32, #tpu.memory_space<hbm>> -> memref<1x32xf32, #tpu.memory_space<hbm>>
        tpu.enqueue_dma source(%dma_start3A_195 : memref<1x32xf32, #tpu.memory_space<hbm>>) target(%dma_start3A_193 : memref<1x32xf32, #tpu.memory_space<vmem>>) target_semaphore(%arg12 : memref<!tpu.dma_semaphore, #tpu.memory_space<semaphore_mem>>)
        %dma_start3A_196 = arith.constant 0 : i32
        %dma_start3A_197 = tpu.memref_slice %arg10[%add3A_183, %dma_start3A_196] : memref<128x32xf32, #tpu.memory_space<vmem>> -> memref<1x32xf32, #tpu.memory_space<vmem>>
        %dma_start3A_198 = arith.constant 0 : i32
        %dma_start3A_199 = tpu.memref_slice %arg5[%squeeze3A_187, %dma_start3A_198] : memref<1000000x32xf32, #tpu.memory_space<hbm>> -> memref<1x32xf32, #tpu.memory_space<hbm>>
        %dma_start3A_200 = arith.constant 0 : i32
        %dma_start3A_201 = tpu.memref_slice %arg10[%add3A_183, %dma_start3A_200] : memref<128x32xf32, #tpu.memory_space<vmem>> -> memref<1x32xf32, #tpu.memory_space<vmem>>
        %dma_start3A_202 = arith.constant 0 : i32
        %dma_start3A_203 = tpu.memref_slice %arg5[%squeeze3A_187, %dma_start3A_202] : memref<1000000x32xf32, #tpu.memory_space<hbm>> -> memref<1x32xf32, #tpu.memory_space<hbm>>
        tpu.enqueue_dma source(%dma_start3A_203 : memref<1x32xf32, #tpu.memory_space<hbm>>) target(%dma_start3A_201 : memref<1x32xf32, #tpu.memory_space<vmem>>) target_semaphore(%arg13 : memref<!tpu.dma_semaphore, #tpu.memory_space<semaphore_mem>>)
        %mul3A_204 = arith.constant 16 : i32
        %mul3A_205 = arith.muli %scan3A_29, %mul3A_204 : i32
        %add3A_206 = arith.constant 7 : i32
        %add3A_207 = arith.addi %mul3A_205, %add3A_206 : i32
        %slice3A_208 = vector.extract_strided_slice %get3A_33 {offsets = [7], sizes = [1], strides = [1]} : vector<16xi32> to vector<1xi32>
        %squeeze3A_209 = vector.extract %slice3A_208[0] : i32 from vector<1xi32>
        %slice3A_210 = vector.extract_strided_slice %get3A_38 {offsets = [7], sizes = [1], strides = [1]} : vector<16xi32> to vector<1xi32>
        %squeeze3A_211 = vector.extract %slice3A_210[0] : i32 from vector<1xi32>
        %dma_start3A_212 = arith.constant 0 : i32
        %dma_start3A_213 = tpu.memref_slice %arg9[%add3A_207, %dma_start3A_212] : memref<128x32xf32, #tpu.memory_space<vmem>> -> memref<1x32xf32, #tpu.memory_space<vmem>>
        %dma_start3A_214 = arith.constant 0 : i32
        %dma_start3A_215 = tpu.memref_slice %arg4[%squeeze3A_209, %dma_start3A_214] : memref<1000000x32xf32, #tpu.memory_space<hbm>> -> memref<1x32xf32, #tpu.memory_space<hbm>>
        %dma_start3A_216 = arith.constant 0 : i32
        %dma_start3A_217 = tpu.memref_slice %arg9[%add3A_207, %dma_start3A_216] : memref<128x32xf32, #tpu.memory_space<vmem>> -> memref<1x32xf32, #tpu.memory_space<vmem>>
        %dma_start3A_218 = arith.constant 0 : i32
        %dma_start3A_219 = tpu.memref_slice %arg4[%squeeze3A_209, %dma_start3A_218] : memref<1000000x32xf32, #tpu.memory_space<hbm>> -> memref<1x32xf32, #tpu.memory_space<hbm>>
        tpu.enqueue_dma source(%dma_start3A_219 : memref<1x32xf32, #tpu.memory_space<hbm>>) target(%dma_start3A_217 : memref<1x32xf32, #tpu.memory_space<vmem>>) target_semaphore(%arg12 : memref<!tpu.dma_semaphore, #tpu.memory_space<semaphore_mem>>)
        %dma_start3A_220 = arith.constant 0 : i32
        %dma_start3A_221 = tpu.memref_slice %arg10[%add3A_207, %dma_start3A_220] : memref<128x32xf32, #tpu.memory_space<vmem>> -> memref<1x32xf32, #tpu.memory_space<vmem>>
        %dma_start3A_222 = arith.constant 0 : i32
        %dma_start3A_223 = tpu.memref_slice %arg5[%squeeze3A_211, %dma_start3A_222] : memref<1000000x32xf32, #tpu.memory_space<hbm>> -> memref<1x32xf32, #tpu.memory_space<hbm>>
        %dma_start3A_224 = arith.constant 0 : i32
        %dma_start3A_225 = tpu.memref_slice %arg10[%add3A_207, %dma_start3A_224] : memref<128x32xf32, #tpu.memory_space<vmem>> -> memref<1x32xf32, #tpu.memory_space<vmem>>
        %dma_start3A_226 = arith.constant 0 : i32
        %dma_start3A_227 = tpu.memref_slice %arg5[%squeeze3A_211, %dma_start3A_226] : memref<1000000x32xf32, #tpu.memory_space<hbm>> -> memref<1x32xf32, #tpu.memory_space<hbm>>
        tpu.enqueue_dma source(%dma_start3A_227 : memref<1x32xf32, #tpu.memory_space<hbm>>) target(%dma_start3A_225 : memref<1x32xf32, #tpu.memory_space<vmem>>) target_semaphore(%arg13 : memref<!tpu.dma_semaphore, #tpu.memory_space<semaphore_mem>>)
        %mul3A_228 = arith.constant 16 : i32
        %mul3A_229 = arith.muli %scan3A_29, %mul3A_228 : i32
        %add3A_230 = arith.constant 8 : i32
        %add3A_231 = arith.addi %mul3A_229, %add3A_230 : i32
        %slice3A_232 = vector.extract_strided_slice %get3A_33 {offsets = [8], sizes = [1], strides = [1]} : vector<16xi32> to vector<1xi32>
        %squeeze3A_233 = vector.extract %slice3A_232[0] : i32 from vector<1xi32>
        %slice3A_234 = vector.extract_strided_slice %get3A_38 {offsets = [8], sizes = [1], strides = [1]} : vector<16xi32> to vector<1xi32>
        %squeeze3A_235 = vector.extract %slice3A_234[0] : i32 from vector<1xi32>
        %dma_start3A_236 = arith.constant 0 : i32
        %dma_start3A_237 = tpu.memref_slice %arg9[%add3A_231, %dma_start3A_236] : memref<128x32xf32, #tpu.memory_space<vmem>> -> memref<1x32xf32, #tpu.memory_space<vmem>>
        %dma_start3A_238 = arith.constant 0 : i32
        %dma_start3A_239 = tpu.memref_slice %arg4[%squeeze3A_233, %dma_start3A_238] : memref<1000000x32xf32, #tpu.memory_space<hbm>> -> memref<1x32xf32, #tpu.memory_space<hbm>>
        %dma_start3A_240 = arith.constant 0 : i32
        %dma_start3A_241 = tpu.memref_slice %arg9[%add3A_231, %dma_start3A_240] : memref<128x32xf32, #tpu.memory_space<vmem>> -> memref<1x32xf32, #tpu.memory_space<vmem>>
        %dma_start3A_242 = arith.constant 0 : i32
        %dma_start3A_243 = tpu.memref_slice %arg4[%squeeze3A_233, %dma_start3A_242] : memref<1000000x32xf32, #tpu.memory_space<hbm>> -> memref<1x32xf32, #tpu.memory_space<hbm>>
        tpu.enqueue_dma source(%dma_start3A_243 : memref<1x32xf32, #tpu.memory_space<hbm>>) target(%dma_start3A_241 : memref<1x32xf32, #tpu.memory_space<vmem>>) target_semaphore(%arg12 : memref<!tpu.dma_semaphore, #tpu.memory_space<semaphore_mem>>)
        %dma_start3A_244 = arith.constant 0 : i32
        %dma_start3A_245 = tpu.memref_slice %arg10[%add3A_231, %dma_start3A_244] : memref<128x32xf32, #tpu.memory_space<vmem>> -> memref<1x32xf32, #tpu.memory_space<vmem>>
        %dma_start3A_246 = arith.constant 0 : i32
        %dma_start3A_247 = tpu.memref_slice %arg5[%squeeze3A_235, %dma_start3A_246] : memref<1000000x32xf32, #tpu.memory_space<hbm>> -> memref<1x32xf32, #tpu.memory_space<hbm>>
        %dma_start3A_248 = arith.constant 0 : i32
        %dma_start3A_249 = tpu.memref_slice %arg10[%add3A_231, %dma_start3A_248] : memref<128x32xf32, #tpu.memory_space<vmem>> -> memref<1x32xf32, #tpu.memory_space<vmem>>
        %dma_start3A_250 = arith.constant 0 : i32
        %dma_start3A_251 = tpu.memref_slice %arg5[%squeeze3A_235, %dma_start3A_250] : memref<1000000x32xf32, #tpu.memory_space<hbm>> -> memref<1x32xf32, #tpu.memory_space<hbm>>
        tpu.enqueue_dma source(%dma_start3A_251 : memref<1x32xf32, #tpu.memory_space<hbm>>) target(%dma_start3A_249 : memref<1x32xf32, #tpu.memory_space<vmem>>) target_semaphore(%arg13 : memref<!tpu.dma_semaphore, #tpu.memory_space<semaphore_mem>>)
        %mul3A_252 = arith.constant 16 : i32
        %mul3A_253 = arith.muli %scan3A_29, %mul3A_252 : i32
        %add3A_254 = arith.constant 9 : i32
        %add3A_255 = arith.addi %mul3A_253, %add3A_254 : i32
        %slice3A_256 = vector.extract_strided_slice %get3A_33 {offsets = [9], sizes = [1], strides = [1]} : vector<16xi32> to vector<1xi32>
        %squeeze3A_257 = vector.extract %slice3A_256[0] : i32 from vector<1xi32>
        %slice3A_258 = vector.extract_strided_slice %get3A_38 {offsets = [9], sizes = [1], strides = [1]} : vector<16xi32> to vector<1xi32>
        %squeeze3A_259 = vector.extract %slice3A_258[0] : i32 from vector<1xi32>
        %dma_start3A_260 = arith.constant 0 : i32
        %dma_start3A_261 = tpu.memref_slice %arg9[%add3A_255, %dma_start3A_260] : memref<128x32xf32, #tpu.memory_space<vmem>> -> memref<1x32xf32, #tpu.memory_space<vmem>>
        %dma_start3A_262 = arith.constant 0 : i32
        %dma_start3A_263 = tpu.memref_slice %arg4[%squeeze3A_257, %dma_start3A_262] : memref<1000000x32xf32, #tpu.memory_space<hbm>> -> memref<1x32xf32, #tpu.memory_space<hbm>>
        %dma_start3A_264 = arith.constant 0 : i32
        %dma_start3A_265 = tpu.memref_slice %arg9[%add3A_255, %dma_start3A_264] : memref<128x32xf32, #tpu.memory_space<vmem>> -> memref<1x32xf32, #tpu.memory_space<vmem>>
        %dma_start3A_266 = arith.constant 0 : i32
        %dma_start3A_267 = tpu.memref_slice %arg4[%squeeze3A_257, %dma_start3A_266] : memref<1000000x32xf32, #tpu.memory_space<hbm>> -> memref<1x32xf32, #tpu.memory_space<hbm>>
        tpu.enqueue_dma source(%dma_start3A_267 : memref<1x32xf32, #tpu.memory_space<hbm>>) target(%dma_start3A_265 : memref<1x32xf32, #tpu.memory_space<vmem>>) target_semaphore(%arg12 : memref<!tpu.dma_semaphore, #tpu.memory_space<semaphore_mem>>)
        %dma_start3A_268 = arith.constant 0 : i32
        %dma_start3A_269 = tpu.memref_slice %arg10[%add3A_255, %dma_start3A_268] : memref<128x32xf32, #tpu.memory_space<vmem>> -> memref<1x32xf32, #tpu.memory_space<vmem>>
        %dma_start3A_270 = arith.constant 0 : i32
        %dma_start3A_271 = tpu.memref_slice %arg5[%squeeze3A_259, %dma_start3A_270] : memref<1000000x32xf32, #tpu.memory_space<hbm>> -> memref<1x32xf32, #tpu.memory_space<hbm>>
        %dma_start3A_272 = arith.constant 0 : i32
        %dma_start3A_273 = tpu.memref_slice %arg10[%add3A_255, %dma_start3A_272] : memref<128x32xf32, #tpu.memory_space<vmem>> -> memref<1x32xf32, #tpu.memory_space<vmem>>
        %dma_start3A_274 = arith.constant 0 : i32
        %dma_start3A_275 = tpu.memref_slice %arg5[%squeeze3A_259, %dma_start3A_274] : memref<1000000x32xf32, #tpu.memory_space<hbm>> -> memref<1x32xf32, #tpu.memory_space<hbm>>
        tpu.enqueue_dma source(%dma_start3A_275 : memref<1x32xf32, #tpu.memory_space<hbm>>) target(%dma_start3A_273 : memref<1x32xf32, #tpu.memory_space<vmem>>) target_semaphore(%arg13 : memref<!tpu.dma_semaphore, #tpu.memory_space<semaphore_mem>>)
        %mul3A_276 = arith.constant 16 : i32
        %mul3A_277 = arith.muli %scan3A_29, %mul3A_276 : i32
        %add3A_278 = arith.constant 10 : i32
        %add3A_279 = arith.addi %mul3A_277, %add3A_278 : i32
        %slice3A_280 = vector.extract_strided_slice %get3A_33 {offsets = [10], sizes = [1], strides = [1]} : vector<16xi32> to vector<1xi32>
        %squeeze3A_281 = vector.extract %slice3A_280[0] : i32 from vector<1xi32>
        %slice3A_282 = vector.extract_strided_slice %get3A_38 {offsets = [10], sizes = [1], strides = [1]} : vector<16xi32> to vector<1xi32>
        %squeeze3A_283 = vector.extract %slice3A_282[0] : i32 from vector<1xi32>
        %dma_start3A_284 = arith.constant 0 : i32
        %dma_start3A_285 = tpu.memref_slice %arg9[%add3A_279, %dma_start3A_284] : memref<128x32xf32, #tpu.memory_space<vmem>> -> memref<1x32xf32, #tpu.memory_space<vmem>>
        %dma_start3A_286 = arith.constant 0 : i32
        %dma_start3A_287 = tpu.memref_slice %arg4[%squeeze3A_281, %dma_start3A_286] : memref<1000000x32xf32, #tpu.memory_space<hbm>> -> memref<1x32xf32, #tpu.memory_space<hbm>>
        %dma_start3A_288 = arith.constant 0 : i32
        %dma_start3A_289 = tpu.memref_slice %arg9[%add3A_279, %dma_start3A_288] : memref<128x32xf32, #tpu.memory_space<vmem>> -> memref<1x32xf32, #tpu.memory_space<vmem>>
        %dma_start3A_290 = arith.constant 0 : i32
        %dma_start3A_291 = tpu.memref_slice %arg4[%squeeze3A_281, %dma_start3A_290] : memref<1000000x32xf32, #tpu.memory_space<hbm>> -> memref<1x32xf32, #tpu.memory_space<hbm>>
        tpu.enqueue_dma source(%dma_start3A_291 : memref<1x32xf32, #tpu.memory_space<hbm>>) target(%dma_start3A_289 : memref<1x32xf32, #tpu.memory_space<vmem>>) target_semaphore(%arg12 : memref<!tpu.dma_semaphore, #tpu.memory_space<semaphore_mem>>)
        %dma_start3A_292 = arith.constant 0 : i32
        %dma_start3A_293 = tpu.memref_slice %arg10[%add3A_279, %dma_start3A_292] : memref<128x32xf32, #tpu.memory_space<vmem>> -> memref<1x32xf32, #tpu.memory_space<vmem>>
        %dma_start3A_294 = arith.constant 0 : i32
        %dma_start3A_295 = tpu.memref_slice %arg5[%squeeze3A_283, %dma_start3A_294] : memref<1000000x32xf32, #tpu.memory_space<hbm>> -> memref<1x32xf32, #tpu.memory_space<hbm>>
        %dma_start3A_296 = arith.constant 0 : i32
        %dma_start3A_297 = tpu.memref_slice %arg10[%add3A_279, %dma_start3A_296] : memref<128x32xf32, #tpu.memory_space<vmem>> -> memref<1x32xf32, #tpu.memory_space<vmem>>
        %dma_start3A_298 = arith.constant 0 : i32
        %dma_start3A_299 = tpu.memref_slice %arg5[%squeeze3A_283, %dma_start3A_298] : memref<1000000x32xf32, #tpu.memory_space<hbm>> -> memref<1x32xf32, #tpu.memory_space<hbm>>
        tpu.enqueue_dma source(%dma_start3A_299 : memref<1x32xf32, #tpu.memory_space<hbm>>) target(%dma_start3A_297 : memref<1x32xf32, #tpu.memory_space<vmem>>) target_semaphore(%arg13 : memref<!tpu.dma_semaphore, #tpu.memory_space<semaphore_mem>>)
        %mul3A_300 = arith.constant 16 : i32
        %mul3A_301 = arith.muli %scan3A_29, %mul3A_300 : i32
        %add3A_302 = arith.constant 11 : i32
        %add3A_303 = arith.addi %mul3A_301, %add3A_302 : i32
        %slice3A_304 = vector.extract_strided_slice %get3A_33 {offsets = [11], sizes = [1], strides = [1]} : vector<16xi32> to vector<1xi32>
        %squeeze3A_305 = vector.extract %slice3A_304[0] : i32 from vector<1xi32>
        %slice3A_306 = vector.extract_strided_slice %get3A_38 {offsets = [11], sizes = [1], strides = [1]} : vector<16xi32> to vector<1xi32>
        %squeeze3A_307 = vector.extract %slice3A_306[0] : i32 from vector<1xi32>
        %dma_start3A_308 = arith.constant 0 : i32
        %dma_start3A_309 = tpu.memref_slice %arg9[%add3A_303, %dma_start3A_308] : memref<128x32xf32, #tpu.memory_space<vmem>> -> memref<1x32xf32, #tpu.memory_space<vmem>>
        %dma_start3A_310 = arith.constant 0 : i32
        %dma_start3A_311 = tpu.memref_slice %arg4[%squeeze3A_305, %dma_start3A_310] : memref<1000000x32xf32, #tpu.memory_space<hbm>> -> memref<1x32xf32, #tpu.memory_space<hbm>>
        %dma_start3A_312 = arith.constant 0 : i32
        %dma_start3A_313 = tpu.memref_slice %arg9[%add3A_303, %dma_start3A_312] : memref<128x32xf32, #tpu.memory_space<vmem>> -> memref<1x32xf32, #tpu.memory_space<vmem>>
        %dma_start3A_314 = arith.constant 0 : i32
        %dma_start3A_315 = tpu.memref_slice %arg4[%squeeze3A_305, %dma_start3A_314] : memref<1000000x32xf32, #tpu.memory_space<hbm>> -> memref<1x32xf32, #tpu.memory_space<hbm>>
        tpu.enqueue_dma source(%dma_start3A_315 : memref<1x32xf32, #tpu.memory_space<hbm>>) target(%dma_start3A_313 : memref<1x32xf32, #tpu.memory_space<vmem>>) target_semaphore(%arg12 : memref<!tpu.dma_semaphore, #tpu.memory_space<semaphore_mem>>)
        %dma_start3A_316 = arith.constant 0 : i32
        %dma_start3A_317 = tpu.memref_slice %arg10[%add3A_303, %dma_start3A_316] : memref<128x32xf32, #tpu.memory_space<vmem>> -> memref<1x32xf32, #tpu.memory_space<vmem>>
        %dma_start3A_318 = arith.constant 0 : i32
        %dma_start3A_319 = tpu.memref_slice %arg5[%squeeze3A_307, %dma_start3A_318] : memref<1000000x32xf32, #tpu.memory_space<hbm>> -> memref<1x32xf32, #tpu.memory_space<hbm>>
        %dma_start3A_320 = arith.constant 0 : i32
        %dma_start3A_321 = tpu.memref_slice %arg10[%add3A_303, %dma_start3A_320] : memref<128x32xf32, #tpu.memory_space<vmem>> -> memref<1x32xf32, #tpu.memory_space<vmem>>
        %dma_start3A_322 = arith.constant 0 : i32
        %dma_start3A_323 = tpu.memref_slice %arg5[%squeeze3A_307, %dma_start3A_322] : memref<1000000x32xf32, #tpu.memory_space<hbm>> -> memref<1x32xf32, #tpu.memory_space<hbm>>
        tpu.enqueue_dma source(%dma_start3A_323 : memref<1x32xf32, #tpu.memory_space<hbm>>) target(%dma_start3A_321 : memref<1x32xf32, #tpu.memory_space<vmem>>) target_semaphore(%arg13 : memref<!tpu.dma_semaphore, #tpu.memory_space<semaphore_mem>>)
        %mul3A_324 = arith.constant 16 : i32
        %mul3A_325 = arith.muli %scan3A_29, %mul3A_324 : i32
        %add3A_326 = arith.constant 12 : i32
        %add3A_327 = arith.addi %mul3A_325, %add3A_326 : i32
        %slice3A_328 = vector.extract_strided_slice %get3A_33 {offsets = [12], sizes = [1], strides = [1]} : vector<16xi32> to vector<1xi32>
        %squeeze3A_329 = vector.extract %slice3A_328[0] : i32 from vector<1xi32>
        %slice3A_330 = vector.extract_strided_slice %get3A_38 {offsets = [12], sizes = [1], strides = [1]} : vector<16xi32> to vector<1xi32>
        %squeeze3A_331 = vector.extract %slice3A_330[0] : i32 from vector<1xi32>
        %dma_start3A_332 = arith.constant 0 : i32
        %dma_start3A_333 = tpu.memref_slice %arg9[%add3A_327, %dma_start3A_332] : memref<128x32xf32, #tpu.memory_space<vmem>> -> memref<1x32xf32, #tpu.memory_space<vmem>>
        %dma_start3A_334 = arith.constant 0 : i32
        %dma_start3A_335 = tpu.memref_slice %arg4[%squeeze3A_329, %dma_start3A_334] : memref<1000000x32xf32, #tpu.memory_space<hbm>> -> memref<1x32xf32, #tpu.memory_space<hbm>>
        %dma_start3A_336 = arith.constant 0 : i32
        %dma_start3A_337 = tpu.memref_slice %arg9[%add3A_327, %dma_start3A_336] : memref<128x32xf32, #tpu.memory_space<vmem>> -> memref<1x32xf32, #tpu.memory_space<vmem>>
        %dma_start3A_338 = arith.constant 0 : i32
        %dma_start3A_339 = tpu.memref_slice %arg4[%squeeze3A_329, %dma_start3A_338] : memref<1000000x32xf32, #tpu.memory_space<hbm>> -> memref<1x32xf32, #tpu.memory_space<hbm>>
        tpu.enqueue_dma source(%dma_start3A_339 : memref<1x32xf32, #tpu.memory_space<hbm>>) target(%dma_start3A_337 : memref<1x32xf32, #tpu.memory_space<vmem>>) target_semaphore(%arg12 : memref<!tpu.dma_semaphore, #tpu.memory_space<semaphore_mem>>)
        %dma_start3A_340 = arith.constant 0 : i32
        %dma_start3A_341 = tpu.memref_slice %arg10[%add3A_327, %dma_start3A_340] : memref<128x32xf32, #tpu.memory_space<vmem>> -> memref<1x32xf32, #tpu.memory_space<vmem>>
        %dma_start3A_342 = arith.constant 0 : i32
        %dma_start3A_343 = tpu.memref_slice %arg5[%squeeze3A_331, %dma_start3A_342] : memref<1000000x32xf32, #tpu.memory_space<hbm>> -> memref<1x32xf32, #tpu.memory_space<hbm>>
        %dma_start3A_344 = arith.constant 0 : i32
        %dma_start3A_345 = tpu.memref_slice %arg10[%add3A_327, %dma_start3A_344] : memref<128x32xf32, #tpu.memory_space<vmem>> -> memref<1x32xf32, #tpu.memory_space<vmem>>
        %dma_start3A_346 = arith.constant 0 : i32
        %dma_start3A_347 = tpu.memref_slice %arg5[%squeeze3A_331, %dma_start3A_346] : memref<1000000x32xf32, #tpu.memory_space<hbm>> -> memref<1x32xf32, #tpu.memory_space<hbm>>
        tpu.enqueue_dma source(%dma_start3A_347 : memref<1x32xf32, #tpu.memory_space<hbm>>) target(%dma_start3A_345 : memref<1x32xf32, #tpu.memory_space<vmem>>) target_semaphore(%arg13 : memref<!tpu.dma_semaphore, #tpu.memory_space<semaphore_mem>>)
        %mul3A_348 = arith.constant 16 : i32
        %mul3A_349 = arith.muli %scan3A_29, %mul3A_348 : i32
        %add3A_350 = arith.constant 13 : i32
        %add3A_351 = arith.addi %mul3A_349, %add3A_350 : i32
        %slice3A_352 = vector.extract_strided_slice %get3A_33 {offsets = [13], sizes = [1], strides = [1]} : vector<16xi32> to vector<1xi32>
        %squeeze3A_353 = vector.extract %slice3A_352[0] : i32 from vector<1xi32>
        %slice3A_354 = vector.extract_strided_slice %get3A_38 {offsets = [13], sizes = [1], strides = [1]} : vector<16xi32> to vector<1xi32>
        %squeeze3A_355 = vector.extract %slice3A_354[0] : i32 from vector<1xi32>
        %dma_start3A_356 = arith.constant 0 : i32
        %dma_start3A_357 = tpu.memref_slice %arg9[%add3A_351, %dma_start3A_356] : memref<128x32xf32, #tpu.memory_space<vmem>> -> memref<1x32xf32, #tpu.memory_space<vmem>>
        %dma_start3A_358 = arith.constant 0 : i32
        %dma_start3A_359 = tpu.memref_slice %arg4[%squeeze3A_353, %dma_start3A_358] : memref<1000000x32xf32, #tpu.memory_space<hbm>> -> memref<1x32xf32, #tpu.memory_space<hbm>>
        %dma_start3A_360 = arith.constant 0 : i32
        %dma_start3A_361 = tpu.memref_slice %arg9[%add3A_351, %dma_start3A_360] : memref<128x32xf32, #tpu.memory_space<vmem>> -> memref<1x32xf32, #tpu.memory_space<vmem>>
        %dma_start3A_362 = arith.constant 0 : i32
        %dma_start3A_363 = tpu.memref_slice %arg4[%squeeze3A_353, %dma_start3A_362] : memref<1000000x32xf32, #tpu.memory_space<hbm>> -> memref<1x32xf32, #tpu.memory_space<hbm>>
        tpu.enqueue_dma source(%dma_start3A_363 : memref<1x32xf32, #tpu.memory_space<hbm>>) target(%dma_start3A_361 : memref<1x32xf32, #tpu.memory_space<vmem>>) target_semaphore(%arg12 : memref<!tpu.dma_semaphore, #tpu.memory_space<semaphore_mem>>)
        %dma_start3A_364 = arith.constant 0 : i32
        %dma_start3A_365 = tpu.memref_slice %arg10[%add3A_351, %dma_start3A_364] : memref<128x32xf32, #tpu.memory_space<vmem>> -> memref<1x32xf32, #tpu.memory_space<vmem>>
        %dma_start3A_366 = arith.constant 0 : i32
        %dma_start3A_367 = tpu.memref_slice %arg5[%squeeze3A_355, %dma_start3A_366] : memref<1000000x32xf32, #tpu.memory_space<hbm>> -> memref<1x32xf32, #tpu.memory_space<hbm>>
        %dma_start3A_368 = arith.constant 0 : i32
        %dma_start3A_369 = tpu.memref_slice %arg10[%add3A_351, %dma_start3A_368] : memref<128x32xf32, #tpu.memory_space<vmem>> -> memref<1x32xf32, #tpu.memory_space<vmem>>
        %dma_start3A_370 = arith.constant 0 : i32
        %dma_start3A_371 = tpu.memref_slice %arg5[%squeeze3A_355, %dma_start3A_370] : memref<1000000x32xf32, #tpu.memory_space<hbm>> -> memref<1x32xf32, #tpu.memory_space<hbm>>
        tpu.enqueue_dma source(%dma_start3A_371 : memref<1x32xf32, #tpu.memory_space<hbm>>) target(%dma_start3A_369 : memref<1x32xf32, #tpu.memory_space<vmem>>) target_semaphore(%arg13 : memref<!tpu.dma_semaphore, #tpu.memory_space<semaphore_mem>>)
        %mul3A_372 = arith.constant 16 : i32
        %mul3A_373 = arith.muli %scan3A_29, %mul3A_372 : i32
        %add3A_374 = arith.constant 14 : i32
        %add3A_375 = arith.addi %mul3A_373, %add3A_374 : i32
        %slice3A_376 = vector.extract_strided_slice %get3A_33 {offsets = [14], sizes = [1], strides = [1]} : vector<16xi32> to vector<1xi32>
        %squeeze3A_377 = vector.extract %slice3A_376[0] : i32 from vector<1xi32>
        %slice3A_378 = vector.extract_strided_slice %get3A_38 {offsets = [14], sizes = [1], strides = [1]} : vector<16xi32> to vector<1xi32>
        %squeeze3A_379 = vector.extract %slice3A_378[0] : i32 from vector<1xi32>
        %dma_start3A_380 = arith.constant 0 : i32
        %dma_start3A_381 = tpu.memref_slice %arg9[%add3A_375, %dma_start3A_380] : memref<128x32xf32, #tpu.memory_space<vmem>> -> memref<1x32xf32, #tpu.memory_space<vmem>>
        %dma_start3A_382 = arith.constant 0 : i32
        %dma_start3A_383 = tpu.memref_slice %arg4[%squeeze3A_377, %dma_start3A_382] : memref<1000000x32xf32, #tpu.memory_space<hbm>> -> memref<1x32xf32, #tpu.memory_space<hbm>>
        %dma_start3A_384 = arith.constant 0 : i32
        %dma_start3A_385 = tpu.memref_slice %arg9[%add3A_375, %dma_start3A_384] : memref<128x32xf32, #tpu.memory_space<vmem>> -> memref<1x32xf32, #tpu.memory_space<vmem>>
        %dma_start3A_386 = arith.constant 0 : i32
        %dma_start3A_387 = tpu.memref_slice %arg4[%squeeze3A_377, %dma_start3A_386] : memref<1000000x32xf32, #tpu.memory_space<hbm>> -> memref<1x32xf32, #tpu.memory_space<hbm>>
        tpu.enqueue_dma source(%dma_start3A_387 : memref<1x32xf32, #tpu.memory_space<hbm>>) target(%dma_start3A_385 : memref<1x32xf32, #tpu.memory_space<vmem>>) target_semaphore(%arg12 : memref<!tpu.dma_semaphore, #tpu.memory_space<semaphore_mem>>)
        %dma_start3A_388 = arith.constant 0 : i32
        %dma_start3A_389 = tpu.memref_slice %arg10[%add3A_375, %dma_start3A_388] : memref<128x32xf32, #tpu.memory_space<vmem>> -> memref<1x32xf32, #tpu.memory_space<vmem>>
        %dma_start3A_390 = arith.constant 0 : i32
        %dma_start3A_391 = tpu.memref_slice %arg5[%squeeze3A_379, %dma_start3A_390] : memref<1000000x32xf32, #tpu.memory_space<hbm>> -> memref<1x32xf32, #tpu.memory_space<hbm>>
        %dma_start3A_392 = arith.constant 0 : i32
        %dma_start3A_393 = tpu.memref_slice %arg10[%add3A_375, %dma_start3A_392] : memref<128x32xf32, #tpu.memory_space<vmem>> -> memref<1x32xf32, #tpu.memory_space<vmem>>
        %dma_start3A_394 = arith.constant 0 : i32
        %dma_start3A_395 = tpu.memref_slice %arg5[%squeeze3A_379, %dma_start3A_394] : memref<1000000x32xf32, #tpu.memory_space<hbm>> -> memref<1x32xf32, #tpu.memory_space<hbm>>
        tpu.enqueue_dma source(%dma_start3A_395 : memref<1x32xf32, #tpu.memory_space<hbm>>) target(%dma_start3A_393 : memref<1x32xf32, #tpu.memory_space<vmem>>) target_semaphore(%arg13 : memref<!tpu.dma_semaphore, #tpu.memory_space<semaphore_mem>>)
        %mul3A_396 = arith.constant 16 : i32
        %mul3A_397 = arith.muli %scan3A_29, %mul3A_396 : i32
        %add3A_398 = arith.constant 15 : i32
        %add3A_399 = arith.addi %mul3A_397, %add3A_398 : i32
        %slice3A_400 = vector.extract_strided_slice %get3A_33 {offsets = [15], sizes = [1], strides = [1]} : vector<16xi32> to vector<1xi32>
        %squeeze3A_401 = vector.extract %slice3A_400[0] : i32 from vector<1xi32>
        %slice3A_402 = vector.extract_strided_slice %get3A_38 {offsets = [15], sizes = [1], strides = [1]} : vector<16xi32> to vector<1xi32>
        %squeeze3A_403 = vector.extract %slice3A_402[0] : i32 from vector<1xi32>
        %dma_start3A_404 = arith.constant 0 : i32
        %dma_start3A_405 = tpu.memref_slice %arg9[%add3A_399, %dma_start3A_404] : memref<128x32xf32, #tpu.memory_space<vmem>> -> memref<1x32xf32, #tpu.memory_space<vmem>>
        %dma_start3A_406 = arith.constant 0 : i32
        %dma_start3A_407 = tpu.memref_slice %arg4[%squeeze3A_401, %dma_start3A_406] : memref<1000000x32xf32, #tpu.memory_space<hbm>> -> memref<1x32xf32, #tpu.memory_space<hbm>>
        %dma_start3A_408 = arith.constant 0 : i32
        %dma_start3A_409 = tpu.memref_slice %arg9[%add3A_399, %dma_start3A_408] : memref<128x32xf32, #tpu.memory_space<vmem>> -> memref<1x32xf32, #tpu.memory_space<vmem>>
        %dma_start3A_410 = arith.constant 0 : i32
        %dma_start3A_411 = tpu.memref_slice %arg4[%squeeze3A_401, %dma_start3A_410] : memref<1000000x32xf32, #tpu.memory_space<hbm>> -> memref<1x32xf32, #tpu.memory_space<hbm>>
        tpu.enqueue_dma source(%dma_start3A_411 : memref<1x32xf32, #tpu.memory_space<hbm>>) target(%dma_start3A_409 : memref<1x32xf32, #tpu.memory_space<vmem>>) target_semaphore(%arg12 : memref<!tpu.dma_semaphore, #tpu.memory_space<semaphore_mem>>)
        %dma_start3A_412 = arith.constant 0 : i32
        %dma_start3A_413 = tpu.memref_slice %arg10[%add3A_399, %dma_start3A_412] : memref<128x32xf32, #tpu.memory_space<vmem>> -> memref<1x32xf32, #tpu.memory_space<vmem>>
        %dma_start3A_414 = arith.constant 0 : i32
        %dma_start3A_415 = tpu.memref_slice %arg5[%squeeze3A_403, %dma_start3A_414] : memref<1000000x32xf32, #tpu.memory_space<hbm>> -> memref<1x32xf32, #tpu.memory_space<hbm>>
        %dma_start3A_416 = arith.constant 0 : i32
        %dma_start3A_417 = tpu.memref_slice %arg10[%add3A_399, %dma_start3A_416] : memref<128x32xf32, #tpu.memory_space<vmem>> -> memref<1x32xf32, #tpu.memory_space<vmem>>
        %dma_start3A_418 = arith.constant 0 : i32
        %dma_start3A_419 = tpu.memref_slice %arg5[%squeeze3A_403, %dma_start3A_418] : memref<1000000x32xf32, #tpu.memory_space<hbm>> -> memref<1x32xf32, #tpu.memory_space<hbm>>
        tpu.enqueue_dma source(%dma_start3A_419 : memref<1x32xf32, #tpu.memory_space<hbm>>) target(%dma_start3A_417 : memref<1x32xf32, #tpu.memory_space<vmem>>) target_semaphore(%arg13 : memref<!tpu.dma_semaphore, #tpu.memory_space<semaphore_mem>>)
      }
      %scan3A_16 = arith.constant 8 : i32
      %scan3A_17 = arith.constant 0 : i32
      %scan3A_18 = arith.constant 0 : i32
      %scan3A_19 = arith.constant 128 : i32
      %scan3A_20 = arith.addi %scan3A_18, %scan3A_19 : i32
      %scan3A_21 = arith.constant 1 : i32
      scf.for %scan3A_29 = %scan3A_18 to %scan3A_20 step %scan3A_21  : i32 {
        %dma_wait3A = arith.constant 0 : i32
        %dma_wait3A_30 = tpu.memref_slice %arg9[%scan3A_29, %dma_wait3A] : memref<128x32xf32, #tpu.memory_space<vmem>> -> memref<1x32xf32, #tpu.memory_space<vmem>>
        %dma_wait3A_31 = arith.constant 0 : i32
        %dma_wait3A_32 = arith.constant 0 : i32
        %dma_wait3A_33 = tpu.memref_slice %arg4[%dma_wait3A_31, %dma_wait3A_32] : memref<1000000x32xf32, #tpu.memory_space<hbm>> -> memref<1x32xf32, #tpu.memory_space<hbm>>
        %dma_wait3A_34 = arith.constant 0 : i32
        %dma_wait3A_35 = tpu.memref_slice %arg9[%scan3A_29, %dma_wait3A_34] : memref<128x32xf32, #tpu.memory_space<vmem>> -> memref<1x32xf32, #tpu.memory_space<vmem>>
        %dma_wait3A_36 = arith.constant 0 : i32
        %dma_wait3A_37 = arith.constant 0 : i32
        %dma_wait3A_38 = tpu.memref_slice %arg4[%dma_wait3A_36, %dma_wait3A_37] : memref<1000000x32xf32, #tpu.memory_space<hbm>> -> memref<1x32xf32, #tpu.memory_space<hbm>>
        tpu.wait_dma2 semaphore(%arg12 : memref<!tpu.dma_semaphore, #tpu.memory_space<semaphore_mem>>) src(%dma_wait3A_38 : memref<1x32xf32, #tpu.memory_space<hbm>>) dst(%dma_wait3A_35 : memref<1x32xf32, #tpu.memory_space<vmem>>)
        %dma_wait3A_39 = arith.constant 0 : i32
        %dma_wait3A_40 = tpu.memref_slice %arg10[%scan3A_29, %dma_wait3A_39] : memref<128x32xf32, #tpu.memory_space<vmem>> -> memref<1x32xf32, #tpu.memory_space<vmem>>
        %dma_wait3A_41 = arith.constant 0 : i32
        %dma_wait3A_42 = arith.constant 0 : i32
        %dma_wait3A_43 = tpu.memref_slice %arg5[%dma_wait3A_41, %dma_wait3A_42] : memref<1000000x32xf32, #tpu.memory_space<hbm>> -> memref<1x32xf32, #tpu.memory_space<hbm>>
        %dma_wait3A_44 = arith.constant 0 : i32
        %dma_wait3A_45 = tpu.memref_slice %arg10[%scan3A_29, %dma_wait3A_44] : memref<128x32xf32, #tpu.memory_space<vmem>> -> memref<1x32xf32, #tpu.memory_space<vmem>>
        %dma_wait3A_46 = arith.constant 0 : i32
        %dma_wait3A_47 = arith.constant 0 : i32
        %dma_wait3A_48 = tpu.memref_slice %arg5[%dma_wait3A_46, %dma_wait3A_47] : memref<1000000x32xf32, #tpu.memory_space<hbm>> -> memref<1x32xf32, #tpu.memory_space<hbm>>
        tpu.wait_dma2 semaphore(%arg13 : memref<!tpu.dma_semaphore, #tpu.memory_space<semaphore_mem>>) src(%dma_wait3A_48 : memref<1x32xf32, #tpu.memory_space<hbm>>) dst(%dma_wait3A_45 : memref<1x32xf32, #tpu.memory_space<vmem>>)
      }
      %scan3A_22 = arith.constant 128 : i32
      %scan3A_23 = arith.constant 0 : i32
      %scan3A_24 = arith.constant 0 : i32
      %scan3A_25 = arith.constant 8 : i32
      %scan3A_26 = arith.addi %scan3A_24, %scan3A_25 : i32
      %scan3A_27 = arith.constant 1 : i32
      scf.for %scan3A_29 = %scan3A_24 to %scan3A_26 step %scan3A_27  : i32 {
        %mul3A_30 = arith.constant 16 : i32
        %mul3A_31 = arith.muli %scan3A_29, %mul3A_30 : i32
        %add3A_32 = vector.broadcast %mul3A_31 : i32 to vector<16xi32>
        %add3A_33 = arith.addi %iota3A, %add3A_32 : vector<16xi32>
        %broadcast_in_dim3A = arith.constant 0.000000e+00 : f32
        %broadcast_in_dim3A_34 = vector.broadcast %broadcast_in_dim3A : f32 to vector<16xf32>
        %broadcast_in_dim3A_35 = arith.constant 0 : i32
        %broadcast_in_dim3A_36 = vector.broadcast %broadcast_in_dim3A_35 : i32 to vector<16xi32>
        %gather3A = tpu.vector_load_idx %arg9[%add3A_33, %broadcast_in_dim3A_36] : memref<128x32xf32, #tpu.memory_space<vmem>>[vector<16xi32>, vector<16xi32>], vector<16xf32>,
        %gather3A_37 = tpu.vector_load_idx %arg10[%add3A_33, %broadcast_in_dim3A_36] : memref<128x32xf32, #tpu.memory_space<vmem>>[vector<16xi32>, vector<16xi32>], vector<16xf32>,
        %mul3A_38 = arith.mulf %gather3A, %gather3A_37 : vector<16xf32>
        %add3A_39 = arith.addf %broadcast_in_dim3A_34, %mul3A_38 : vector<16xf32>
        %broadcast_in_dim3A_40 = arith.constant 1 : i32
        %broadcast_in_dim3A_41 = vector.broadcast %broadcast_in_dim3A_40 : i32 to vector<16xi32>
        %gather3A_42 = tpu.vector_load_idx %arg9[%add3A_33, %broadcast_in_dim3A_41] : memref<128x32xf32, #tpu.memory_space<vmem>>[vector<16xi32>, vector<16xi32>], vector<16xf32>,
        %gather3A_43 = tpu.vector_load_idx %arg10[%add3A_33, %broadcast_in_dim3A_41] : memref<128x32xf32, #tpu.memory_space<vmem>>[vector<16xi32>, vector<16xi32>], vector<16xf32>,
        %mul3A_44 = arith.mulf %gather3A_42, %gather3A_43 : vector<16xf32>
        %add3A_45 = arith.addf %add3A_39, %mul3A_44 : vector<16xf32>
        %broadcast_in_dim3A_46 = arith.constant 2 : i32
        %broadcast_in_dim3A_47 = vector.broadcast %broadcast_in_dim3A_46 : i32 to vector<16xi32>
        %gather3A_48 = tpu.vector_load_idx %arg9[%add3A_33, %broadcast_in_dim3A_47] : memref<128x32xf32, #tpu.memory_space<vmem>>[vector<16xi32>, vector<16xi32>], vector<16xf32>,
        %gather3A_49 = tpu.vector_load_idx %arg10[%add3A_33, %broadcast_in_dim3A_47] : memref<128x32xf32, #tpu.memory_space<vmem>>[vector<16xi32>, vector<16xi32>], vector<16xf32>,
        %mul3A_50 = arith.mulf %gather3A_48, %gather3A_49 : vector<16xf32>
        %add3A_51 = arith.addf %add3A_45, %mul3A_50 : vector<16xf32>
        %broadcast_in_dim3A_52 = arith.constant 3 : i32
        %broadcast_in_dim3A_53 = vector.broadcast %broadcast_in_dim3A_52 : i32 to vector<16xi32>
        %gather3A_54 = tpu.vector_load_idx %arg9[%add3A_33, %broadcast_in_dim3A_53] : memref<128x32xf32, #tpu.memory_space<vmem>>[vector<16xi32>, vector<16xi32>], vector<16xf32>,
        %gather3A_55 = tpu.vector_load_idx %arg10[%add3A_33, %broadcast_in_dim3A_53] : memref<128x32xf32, #tpu.memory_space<vmem>>[vector<16xi32>, vector<16xi32>], vector<16xf32>,
        %mul3A_56 = arith.mulf %gather3A_54, %gather3A_55 : vector<16xf32>
        %add3A_57 = arith.addf %add3A_51, %mul3A_56 : vector<16xf32>
        %broadcast_in_dim3A_58 = arith.constant 4 : i32
        %broadcast_in_dim3A_59 = vector.broadcast %broadcast_in_dim3A_58 : i32 to vector<16xi32>
        %gather3A_60 = tpu.vector_load_idx %arg9[%add3A_33, %broadcast_in_dim3A_59] : memref<128x32xf32, #tpu.memory_space<vmem>>[vector<16xi32>, vector<16xi32>], vector<16xf32>,
        %gather3A_61 = tpu.vector_load_idx %arg10[%add3A_33, %broadcast_in_dim3A_59] : memref<128x32xf32, #tpu.memory_space<vmem>>[vector<16xi32>, vector<16xi32>], vector<16xf32>,
        %mul3A_62 = arith.mulf %gather3A_60, %gather3A_61 : vector<16xf32>
        %add3A_63 = arith.addf %add3A_57, %mul3A_62 : vector<16xf32>
        %broadcast_in_dim3A_64 = arith.constant 5 : i32
        %broadcast_in_dim3A_65 = vector.broadcast %broadcast_in_dim3A_64 : i32 to vector<16xi32>
        %gather3A_66 = tpu.vector_load_idx %arg9[%add3A_33, %broadcast_in_dim3A_65] : memref<128x32xf32, #tpu.memory_space<vmem>>[vector<16xi32>, vector<16xi32>], vector<16xf32>,
        %gather3A_67 = tpu.vector_load_idx %arg10[%add3A_33, %broadcast_in_dim3A_65] : memref<128x32xf32, #tpu.memory_space<vmem>>[vector<16xi32>, vector<16xi32>], vector<16xf32>,
        %mul3A_68 = arith.mulf %gather3A_66, %gather3A_67 : vector<16xf32>
        %add3A_69 = arith.addf %add3A_63, %mul3A_68 : vector<16xf32>
        %broadcast_in_dim3A_70 = arith.constant 6 : i32
        %broadcast_in_dim3A_71 = vector.broadcast %broadcast_in_dim3A_70 : i32 to vector<16xi32>
        %gather3A_72 = tpu.vector_load_idx %arg9[%add3A_33, %broadcast_in_dim3A_71] : memref<128x32xf32, #tpu.memory_space<vmem>>[vector<16xi32>, vector<16xi32>], vector<16xf32>,
        %gather3A_73 = tpu.vector_load_idx %arg10[%add3A_33, %broadcast_in_dim3A_71] : memref<128x32xf32, #tpu.memory_space<vmem>>[vector<16xi32>, vector<16xi32>], vector<16xf32>,
        %mul3A_74 = arith.mulf %gather3A_72, %gather3A_73 : vector<16xf32>
        %add3A_75 = arith.addf %add3A_69, %mul3A_74 : vector<16xf32>
        %broadcast_in_dim3A_76 = arith.constant 7 : i32
        %broadcast_in_dim3A_77 = vector.broadcast %broadcast_in_dim3A_76 : i32 to vector<16xi32>
        %gather3A_78 = tpu.vector_load_idx %arg9[%add3A_33, %broadcast_in_dim3A_77] : memref<128x32xf32, #tpu.memory_space<vmem>>[vector<16xi32>, vector<16xi32>], vector<16xf32>,
        %gather3A_79 = tpu.vector_load_idx %arg10[%add3A_33, %broadcast_in_dim3A_77] : memref<128x32xf32, #tpu.memory_space<vmem>>[vector<16xi32>, vector<16xi32>], vector<16xf32>,
        %mul3A_80 = arith.mulf %gather3A_78, %gather3A_79 : vector<16xf32>
        %add3A_81 = arith.addf %add3A_75, %mul3A_80 : vector<16xf32>
        %broadcast_in_dim3A_82 = arith.constant 8 : i32
        %broadcast_in_dim3A_83 = vector.broadcast %broadcast_in_dim3A_82 : i32 to vector<16xi32>
        %gather3A_84 = tpu.vector_load_idx %arg9[%add3A_33, %broadcast_in_dim3A_83] : memref<128x32xf32, #tpu.memory_space<vmem>>[vector<16xi32>, vector<16xi32>], vector<16xf32>,
        %gather3A_85 = tpu.vector_load_idx %arg10[%add3A_33, %broadcast_in_dim3A_83] : memref<128x32xf32, #tpu.memory_space<vmem>>[vector<16xi32>, vector<16xi32>], vector<16xf32>,
        %mul3A_86 = arith.mulf %gather3A_84, %gather3A_85 : vector<16xf32>
        %add3A_87 = arith.addf %add3A_81, %mul3A_86 : vector<16xf32>
        %broadcast_in_dim3A_88 = arith.constant 9 : i32
        %broadcast_in_dim3A_89 = vector.broadcast %broadcast_in_dim3A_88 : i32 to vector<16xi32>
        %gather3A_90 = tpu.vector_load_idx %arg9[%add3A_33, %broadcast_in_dim3A_89] : memref<128x32xf32, #tpu.memory_space<vmem>>[vector<16xi32>, vector<16xi32>], vector<16xf32>,
        %gather3A_91 = tpu.vector_load_idx %arg10[%add3A_33, %broadcast_in_dim3A_89] : memref<128x32xf32, #tpu.memory_space<vmem>>[vector<16xi32>, vector<16xi32>], vector<16xf32>,
        %mul3A_92 = arith.mulf %gather3A_90, %gather3A_91 : vector<16xf32>
        %add3A_93 = arith.addf %add3A_87, %mul3A_92 : vector<16xf32>
        %broadcast_in_dim3A_94 = arith.constant 10 : i32
        %broadcast_in_dim3A_95 = vector.broadcast %broadcast_in_dim3A_94 : i32 to vector<16xi32>
        %gather3A_96 = tpu.vector_load_idx %arg9[%add3A_33, %broadcast_in_dim3A_95] : memref<128x32xf32, #tpu.memory_space<vmem>>[vector<16xi32>, vector<16xi32>], vector<16xf32>,
        %gather3A_97 = tpu.vector_load_idx %arg10[%add3A_33, %broadcast_in_dim3A_95] : memref<128x32xf32, #tpu.memory_space<vmem>>[vector<16xi32>, vector<16xi32>], vector<16xf32>,
        %mul3A_98 = arith.mulf %gather3A_96, %gather3A_97 : vector<16xf32>
        %add3A_99 = arith.addf %add3A_93, %mul3A_98 : vector<16xf32>
        %broadcast_in_dim3A_100 = arith.constant 11 : i32
        %broadcast_in_dim3A_101 = vector.broadcast %broadcast_in_dim3A_100 : i32 to vector<16xi32>
        %gather3A_102 = tpu.vector_load_idx %arg9[%add3A_33, %broadcast_in_dim3A_101] : memref<128x32xf32, #tpu.memory_space<vmem>>[vector<16xi32>, vector<16xi32>], vector<16xf32>,
        %gather3A_103 = tpu.vector_load_idx %arg10[%add3A_33, %broadcast_in_dim3A_101] : memref<128x32xf32, #tpu.memory_space<vmem>>[vector<16xi32>, vector<16xi32>], vector<16xf32>,
        %mul3A_104 = arith.mulf %gather3A_102, %gather3A_103 : vector<16xf32>
        %add3A_105 = arith.addf %add3A_99, %mul3A_104 : vector<16xf32>
        %broadcast_in_dim3A_106 = arith.constant 12 : i32
        %broadcast_in_dim3A_107 = vector.broadcast %broadcast_in_dim3A_106 : i32 to vector<16xi32>
        %gather3A_108 = tpu.vector_load_idx %arg9[%add3A_33, %broadcast_in_dim3A_107] : memref<128x32xf32, #tpu.memory_space<vmem>>[vector<16xi32>, vector<16xi32>], vector<16xf32>,
        %gather3A_109 = tpu.vector_load_idx %arg10[%add3A_33, %broadcast_in_dim3A_107] : memref<128x32xf32, #tpu.memory_space<vmem>>[vector<16xi32>, vector<16xi32>], vector<16xf32>,
        %mul3A_110 = arith.mulf %gather3A_108, %gather3A_109 : vector<16xf32>
        %add3A_111 = arith.addf %add3A_105, %mul3A_110 : vector<16xf32>
        %broadcast_in_dim3A_112 = arith.constant 13 : i32
        %broadcast_in_dim3A_113 = vector.broadcast %broadcast_in_dim3A_112 : i32 to vector<16xi32>
        %gather3A_114 = tpu.vector_load_idx %arg9[%add3A_33, %broadcast_in_dim3A_113] : memref<128x32xf32, #tpu.memory_space<vmem>>[vector<16xi32>, vector<16xi32>], vector<16xf32>,
        %gather3A_115 = tpu.vector_load_idx %arg10[%add3A_33, %broadcast_in_dim3A_113] : memref<128x32xf32, #tpu.memory_space<vmem>>[vector<16xi32>, vector<16xi32>], vector<16xf32>,
        %mul3A_116 = arith.mulf %gather3A_114, %gather3A_115 : vector<16xf32>
        %add3A_117 = arith.addf %add3A_111, %mul3A_116 : vector<16xf32>
        %broadcast_in_dim3A_118 = arith.constant 14 : i32
        %broadcast_in_dim3A_119 = vector.broadcast %broadcast_in_dim3A_118 : i32 to vector<16xi32>
        %gather3A_120 = tpu.vector_load_idx %arg9[%add3A_33, %broadcast_in_dim3A_119] : memref<128x32xf32, #tpu.memory_space<vmem>>[vector<16xi32>, vector<16xi32>], vector<16xf32>,
        %gather3A_121 = tpu.vector_load_idx %arg10[%add3A_33, %broadcast_in_dim3A_119] : memref<128x32xf32, #tpu.memory_space<vmem>>[vector<16xi32>, vector<16xi32>], vector<16xf32>,
        %mul3A_122 = arith.mulf %gather3A_120, %gather3A_121 : vector<16xf32>
        %add3A_123 = arith.addf %add3A_117, %mul3A_122 : vector<16xf32>
        %broadcast_in_dim3A_124 = arith.constant 15 : i32
        %broadcast_in_dim3A_125 = vector.broadcast %broadcast_in_dim3A_124 : i32 to vector<16xi32>
        %gather3A_126 = tpu.vector_load_idx %arg9[%add3A_33, %broadcast_in_dim3A_125] : memref<128x32xf32, #tpu.memory_space<vmem>>[vector<16xi32>, vector<16xi32>], vector<16xf32>,
        %gather3A_127 = tpu.vector_load_idx %arg10[%add3A_33, %broadcast_in_dim3A_125] : memref<128x32xf32, #tpu.memory_space<vmem>>[vector<16xi32>, vector<16xi32>], vector<16xf32>,
        %mul3A_128 = arith.mulf %gather3A_126, %gather3A_127 : vector<16xf32>
        %add3A_129 = arith.addf %add3A_123, %mul3A_128 : vector<16xf32>
        %broadcast_in_dim3A_130 = arith.constant 16 : i32
        %broadcast_in_dim3A_131 = vector.broadcast %broadcast_in_dim3A_130 : i32 to vector<16xi32>
        %gather3A_132 = tpu.vector_load_idx %arg9[%add3A_33, %broadcast_in_dim3A_131] : memref<128x32xf32, #tpu.memory_space<vmem>>[vector<16xi32>, vector<16xi32>], vector<16xf32>,
        %gather3A_133 = tpu.vector_load_idx %arg10[%add3A_33, %broadcast_in_dim3A_131] : memref<128x32xf32, #tpu.memory_space<vmem>>[vector<16xi32>, vector<16xi32>], vector<16xf32>,
        %mul3A_134 = arith.mulf %gather3A_132, %gather3A_133 : vector<16xf32>
        %add3A_135 = arith.addf %add3A_129, %mul3A_134 : vector<16xf32>
        %broadcast_in_dim3A_136 = arith.constant 17 : i32
        %broadcast_in_dim3A_137 = vector.broadcast %broadcast_in_dim3A_136 : i32 to vector<16xi32>
        %gather3A_138 = tpu.vector_load_idx %arg9[%add3A_33, %broadcast_in_dim3A_137] : memref<128x32xf32, #tpu.memory_space<vmem>>[vector<16xi32>, vector<16xi32>], vector<16xf32>,
        %gather3A_139 = tpu.vector_load_idx %arg10[%add3A_33, %broadcast_in_dim3A_137] : memref<128x32xf32, #tpu.memory_space<vmem>>[vector<16xi32>, vector<16xi32>], vector<16xf32>,
        %mul3A_140 = arith.mulf %gather3A_138, %gather3A_139 : vector<16xf32>
        %add3A_141 = arith.addf %add3A_135, %mul3A_140 : vector<16xf32>
        %broadcast_in_dim3A_142 = arith.constant 18 : i32
        %broadcast_in_dim3A_143 = vector.broadcast %broadcast_in_dim3A_142 : i32 to vector<16xi32>
        %gather3A_144 = tpu.vector_load_idx %arg9[%add3A_33, %broadcast_in_dim3A_143] : memref<128x32xf32, #tpu.memory_space<vmem>>[vector<16xi32>, vector<16xi32>], vector<16xf32>,
        %gather3A_145 = tpu.vector_load_idx %arg10[%add3A_33, %broadcast_in_dim3A_143] : memref<128x32xf32, #tpu.memory_space<vmem>>[vector<16xi32>, vector<16xi32>], vector<16xf32>,
        %mul3A_146 = arith.mulf %gather3A_144, %gather3A_145 : vector<16xf32>
        %add3A_147 = arith.addf %add3A_141, %mul3A_146 : vector<16xf32>
        %broadcast_in_dim3A_148 = arith.constant 19 : i32
        %broadcast_in_dim3A_149 = vector.broadcast %broadcast_in_dim3A_148 : i32 to vector<16xi32>
        %gather3A_150 = tpu.vector_load_idx %arg9[%add3A_33, %broadcast_in_dim3A_149] : memref<128x32xf32, #tpu.memory_space<vmem>>[vector<16xi32>, vector<16xi32>], vector<16xf32>,
        %gather3A_151 = tpu.vector_load_idx %arg10[%add3A_33, %broadcast_in_dim3A_149] : memref<128x32xf32, #tpu.memory_space<vmem>>[vector<16xi32>, vector<16xi32>], vector<16xf32>,
        %mul3A_152 = arith.mulf %gather3A_150, %gather3A_151 : vector<16xf32>
        %add3A_153 = arith.addf %add3A_147, %mul3A_152 : vector<16xf32>
        %broadcast_in_dim3A_154 = arith.constant 20 : i32
        %broadcast_in_dim3A_155 = vector.broadcast %broadcast_in_dim3A_154 : i32 to vector<16xi32>
        %gather3A_156 = tpu.vector_load_idx %arg9[%add3A_33, %broadcast_in_dim3A_155] : memref<128x32xf32, #tpu.memory_space<vmem>>[vector<16xi32>, vector<16xi32>], vector<16xf32>,
        %gather3A_157 = tpu.vector_load_idx %arg10[%add3A_33, %broadcast_in_dim3A_155] : memref<128x32xf32, #tpu.memory_space<vmem>>[vector<16xi32>, vector<16xi32>], vector<16xf32>,
        %mul3A_158 = arith.mulf %gather3A_156, %gather3A_157 : vector<16xf32>
        %add3A_159 = arith.addf %add3A_153, %mul3A_158 : vector<16xf32>
        %broadcast_in_dim3A_160 = arith.constant 21 : i32
        %broadcast_in_dim3A_161 = vector.broadcast %broadcast_in_dim3A_160 : i32 to vector<16xi32>
        %gather3A_162 = tpu.vector_load_idx %arg9[%add3A_33, %broadcast_in_dim3A_161] : memref<128x32xf32, #tpu.memory_space<vmem>>[vector<16xi32>, vector<16xi32>], vector<16xf32>,
        %gather3A_163 = tpu.vector_load_idx %arg10[%add3A_33, %broadcast_in_dim3A_161] : memref<128x32xf32, #tpu.memory_space<vmem>>[vector<16xi32>, vector<16xi32>], vector<16xf32>,
        %mul3A_164 = arith.mulf %gather3A_162, %gather3A_163 : vector<16xf32>
        %add3A_165 = arith.addf %add3A_159, %mul3A_164 : vector<16xf32>
        %broadcast_in_dim3A_166 = arith.constant 22 : i32
        %broadcast_in_dim3A_167 = vector.broadcast %broadcast_in_dim3A_166 : i32 to vector<16xi32>
        %gather3A_168 = tpu.vector_load_idx %arg9[%add3A_33, %broadcast_in_dim3A_167] : memref<128x32xf32, #tpu.memory_space<vmem>>[vector<16xi32>, vector<16xi32>], vector<16xf32>,
        %gather3A_169 = tpu.vector_load_idx %arg10[%add3A_33, %broadcast_in_dim3A_167] : memref<128x32xf32, #tpu.memory_space<vmem>>[vector<16xi32>, vector<16xi32>], vector<16xf32>,
        %mul3A_170 = arith.mulf %gather3A_168, %gather3A_169 : vector<16xf32>
        %add3A_171 = arith.addf %add3A_165, %mul3A_170 : vector<16xf32>
        %broadcast_in_dim3A_172 = arith.constant 23 : i32
        %broadcast_in_dim3A_173 = vector.broadcast %broadcast_in_dim3A_172 : i32 to vector<16xi32>
        %gather3A_174 = tpu.vector_load_idx %arg9[%add3A_33, %broadcast_in_dim3A_173] : memref<128x32xf32, #tpu.memory_space<vmem>>[vector<16xi32>, vector<16xi32>], vector<16xf32>,
        %gather3A_175 = tpu.vector_load_idx %arg10[%add3A_33, %broadcast_in_dim3A_173] : memref<128x32xf32, #tpu.memory_space<vmem>>[vector<16xi32>, vector<16xi32>], vector<16xf32>,
        %mul3A_176 = arith.mulf %gather3A_174, %gather3A_175 : vector<16xf32>
        %add3A_177 = arith.addf %add3A_171, %mul3A_176 : vector<16xf32>
        %broadcast_in_dim3A_178 = arith.constant 24 : i32
        %broadcast_in_dim3A_179 = vector.broadcast %broadcast_in_dim3A_178 : i32 to vector<16xi32>
        %gather3A_180 = tpu.vector_load_idx %arg9[%add3A_33, %broadcast_in_dim3A_179] : memref<128x32xf32, #tpu.memory_space<vmem>>[vector<16xi32>, vector<16xi32>], vector<16xf32>,
        %gather3A_181 = tpu.vector_load_idx %arg10[%add3A_33, %broadcast_in_dim3A_179] : memref<128x32xf32, #tpu.memory_space<vmem>>[vector<16xi32>, vector<16xi32>], vector<16xf32>,
        %mul3A_182 = arith.mulf %gather3A_180, %gather3A_181 : vector<16xf32>
        %add3A_183 = arith.addf %add3A_177, %mul3A_182 : vector<16xf32>
        %broadcast_in_dim3A_184 = arith.constant 25 : i32
        %broadcast_in_dim3A_185 = vector.broadcast %broadcast_in_dim3A_184 : i32 to vector<16xi32>
        %gather3A_186 = tpu.vector_load_idx %arg9[%add3A_33, %broadcast_in_dim3A_185] : memref<128x32xf32, #tpu.memory_space<vmem>>[vector<16xi32>, vector<16xi32>], vector<16xf32>,
        %gather3A_187 = tpu.vector_load_idx %arg10[%add3A_33, %broadcast_in_dim3A_185] : memref<128x32xf32, #tpu.memory_space<vmem>>[vector<16xi32>, vector<16xi32>], vector<16xf32>,
        %mul3A_188 = arith.mulf %gather3A_186, %gather3A_187 : vector<16xf32>
        %add3A_189 = arith.addf %add3A_183, %mul3A_188 : vector<16xf32>
        %broadcast_in_dim3A_190 = arith.constant 26 : i32
        %broadcast_in_dim3A_191 = vector.broadcast %broadcast_in_dim3A_190 : i32 to vector<16xi32>
        %gather3A_192 = tpu.vector_load_idx %arg9[%add3A_33, %broadcast_in_dim3A_191] : memref<128x32xf32, #tpu.memory_space<vmem>>[vector<16xi32>, vector<16xi32>], vector<16xf32>,
        %gather3A_193 = tpu.vector_load_idx %arg10[%add3A_33, %broadcast_in_dim3A_191] : memref<128x32xf32, #tpu.memory_space<vmem>>[vector<16xi32>, vector<16xi32>], vector<16xf32>,
        %mul3A_194 = arith.mulf %gather3A_192, %gather3A_193 : vector<16xf32>
        %add3A_195 = arith.addf %add3A_189, %mul3A_194 : vector<16xf32>
        %broadcast_in_dim3A_196 = arith.constant 27 : i32
        %broadcast_in_dim3A_197 = vector.broadcast %broadcast_in_dim3A_196 : i32 to vector<16xi32>
        %gather3A_198 = tpu.vector_load_idx %arg9[%add3A_33, %broadcast_in_dim3A_197] : memref<128x32xf32, #tpu.memory_space<vmem>>[vector<16xi32>, vector<16xi32>], vector<16xf32>,
        %gather3A_199 = tpu.vector_load_idx %arg10[%add3A_33, %broadcast_in_dim3A_197] : memref<128x32xf32, #tpu.memory_space<vmem>>[vector<16xi32>, vector<16xi32>], vector<16xf32>,
        %mul3A_200 = arith.mulf %gather3A_198, %gather3A_199 : vector<16xf32>
        %add3A_201 = arith.addf %add3A_195, %mul3A_200 : vector<16xf32>
        %broadcast_in_dim3A_202 = arith.constant 28 : i32
        %broadcast_in_dim3A_203 = vector.broadcast %broadcast_in_dim3A_202 : i32 to vector<16xi32>
        %gather3A_204 = tpu.vector_load_idx %arg9[%add3A_33, %broadcast_in_dim3A_203] : memref<128x32xf32, #tpu.memory_space<vmem>>[vector<16xi32>, vector<16xi32>], vector<16xf32>,
        %gather3A_205 = tpu.vector_load_idx %arg10[%add3A_33, %broadcast_in_dim3A_203] : memref<128x32xf32, #tpu.memory_space<vmem>>[vector<16xi32>, vector<16xi32>], vector<16xf32>,
        %mul3A_206 = arith.mulf %gather3A_204, %gather3A_205 : vector<16xf32>
        %add3A_207 = arith.addf %add3A_201, %mul3A_206 : vector<16xf32>
        %broadcast_in_dim3A_208 = arith.constant 29 : i32
        %broadcast_in_dim3A_209 = vector.broadcast %broadcast_in_dim3A_208 : i32 to vector<16xi32>
        %gather3A_210 = tpu.vector_load_idx %arg9[%add3A_33, %broadcast_in_dim3A_209] : memref<128x32xf32, #tpu.memory_space<vmem>>[vector<16xi32>, vector<16xi32>], vector<16xf32>,
        %gather3A_211 = tpu.vector_load_idx %arg10[%add3A_33, %broadcast_in_dim3A_209] : memref<128x32xf32, #tpu.memory_space<vmem>>[vector<16xi32>, vector<16xi32>], vector<16xf32>,
        %mul3A_212 = arith.mulf %gather3A_210, %gather3A_211 : vector<16xf32>
        %add3A_213 = arith.addf %add3A_207, %mul3A_212 : vector<16xf32>
        %broadcast_in_dim3A_214 = arith.constant 30 : i32
        %broadcast_in_dim3A_215 = vector.broadcast %broadcast_in_dim3A_214 : i32 to vector<16xi32>
        %gather3A_216 = tpu.vector_load_idx %arg9[%add3A_33, %broadcast_in_dim3A_215] : memref<128x32xf32, #tpu.memory_space<vmem>>[vector<16xi32>, vector<16xi32>], vector<16xf32>,
        %gather3A_217 = tpu.vector_load_idx %arg10[%add3A_33, %broadcast_in_dim3A_215] : memref<128x32xf32, #tpu.memory_space<vmem>>[vector<16xi32>, vector<16xi32>], vector<16xf32>,
        %mul3A_218 = arith.mulf %gather3A_216, %gather3A_217 : vector<16xf32>
        %add3A_219 = arith.addf %add3A_213, %mul3A_218 : vector<16xf32>
        %broadcast_in_dim3A_220 = arith.constant 31 : i32
        %broadcast_in_dim3A_221 = vector.broadcast %broadcast_in_dim3A_220 : i32 to vector<16xi32>
        %gather3A_222 = tpu.vector_load_idx %arg9[%add3A_33, %broadcast_in_dim3A_221] : memref<128x32xf32, #tpu.memory_space<vmem>>[vector<16xi32>, vector<16xi32>], vector<16xf32>,
        %gather3A_223 = tpu.vector_load_idx %arg10[%add3A_33, %broadcast_in_dim3A_221] : memref<128x32xf32, #tpu.memory_space<vmem>>[vector<16xi32>, vector<16xi32>], vector<16xf32>,
        %mul3A_224 = arith.mulf %gather3A_222, %gather3A_223 : vector<16xf32>
        %add3A_225 = arith.addf %add3A_219, %mul3A_224 : vector<16xf32>
        %mul3A_226 = arith.constant 16 : i32
        %mul3A_227 = arith.muli %scan3A_29, %mul3A_226 : i32
        %add3A_228 = arith.addi %mul3A_10, %mul3A_227 : i32
        %swap3A = arith.index_cast %add3A_228 : i32 to index
        %swap3A_229 = tpu.vector_load %arg11[%swap3A] {strides = array<i32>} : memref<512xf32, #tpu.memory_space<vmem>>, vector<16xf32>,
        tpu.vector_store %arg11[%swap3A], %add3A_225 {strides = array<i32>} : memref<512xf32, #tpu.memory_space<vmem>>, vector<16xf32>,
      }
      %scan3A_28 = arith.constant 8 : i32
    }
    %scan3A_7 = arith.constant 4 : i32
    "tpu.region"() ({
      %run_scoped3A = tpu.sem_alloc : memref<!tpu.dma_semaphore, #tpu.memory_space<semaphore_mem>>
      %dma_start3A = tpu.memref_slice %arg6[%mul3A_2] : memref<16384xf32, #tpu.memory_space<hbm>> -> memref<512xf32, #tpu.memory_space<hbm>>
      %dma_start3A_8 = tpu.memref_slice %arg6[%mul3A_2] : memref<16384xf32, #tpu.memory_space<hbm>> -> memref<512xf32, #tpu.memory_space<hbm>>
      tpu.enqueue_dma source(%arg11 : memref<512xf32, #tpu.memory_space<vmem>>) target(%dma_start3A_8 : memref<512xf32, #tpu.memory_space<hbm>>) target_semaphore(%run_scoped3A : memref<!tpu.dma_semaphore, #tpu.memory_space<semaphore_mem>>)
      %dma_wait3A = tpu.memref_slice %arg6[%mul3A_2] : memref<16384xf32, #tpu.memory_space<hbm>> -> memref<512xf32, #tpu.memory_space<hbm>>
      %dma_wait3A_9 = tpu.memref_slice %arg6[%mul3A_2] : memref<16384xf32, #tpu.memory_space<hbm>> -> memref<512xf32, #tpu.memory_space<hbm>>
      tpu.wait_dma2 semaphore(%run_scoped3A : memref<!tpu.dma_semaphore, #tpu.memory_space<semaphore_mem>>) src(%arg11 : memref<512xf32, #tpu.memory_space<vmem>>) dst(%dma_wait3A_9 : memref<512xf32, #tpu.memory_space<hbm>>)
      tpu.yield
    }) : () -> ()
    return
  }
}

</mosaic_0001>

<sc_bundles>
// kernel: kernel.3.cloned.1.call-start
scs
__scs_entry_jumppad:
0x0: {  	(pc) =	sbr.rel $0x88, $3  }
0x1: {  	(tag) =	ssettag $0x0;
	lr =	simm.s32 $0x1  }
0x2: {  	[smem:$0x3F9D] =	sst lr;
	_ =	strace $0xD0000000  }
0x3: {  	_ = 	snop  }
0x4: {  	_ = 	snop  }
0x5: {  	_ = 	snop  }
0x6: {  	_ = 	snop  }
0x7: {  	_ = 	snop  }
__scs_overlays_trampoline_lowered:
0x8: {  	[smem:$0x3FAC] =	sst s0  }
0x9: {  	[smem:$0x3FAD] =	sst s1  }
0xa: {  	[smem:$0x3FAE] =	sst s2  }
0xb: {  	[smem:$0x3FAF] =	sst s3  }
0xc: {  	[smem:$0x3FB0] =	sst s4  }
0xd: {  	[smem:$0x3FB1] =	sst s5  }
0xe: {  	[smem:$0x3FB2] =	sst s6  }
0xf: {  	[smem:$0x3FB3] =	sst s7  }
0x10: {  	[smem:$0x3FB4] =	sst s8  }
0x11: {  	[smem:$0x3FB5] =	sst s9;
	s0 =	simm.s32 @!p0 $0x0  }
0x12: {  	s1 =	sld [smem:$0x3F9B];
	s0 =	simm.s32 @p0 $0x1  }
0x13: {  	[smem:$0x3FB6] =	sst s0;
	s0 =	simm.s32 @!p1 $0x0  }
0x14: {  	s2 =	sld [smem:$0x3F9A];
	s0 =	simm.s32 @p1 $0x1  }
0x15: {  	[smem:$0x3FB7] =	sst s0;
	s0 =	simm.s32 @!p2 $0x0  }
0x16: {  	s3 =	sld [smem:$0x3FDB];
	s0 =	simm.s32 @p2 $0x1  }
0x17: {  	s4 =	simm.s32 $0x1BF5;
	[smem:$0x3FB9] =	sst s0  }
0x18: {  	s0 =	sld [smem:$0x3F9C];
	_ =	swait.ge [sflag:s4], $0x0  }
0x19: {  	s7 =	sld [smem:$0x3F9D]  }
0x1a: {  	s8 =	sadd.s32 $0xFFFFE003, lr  }
0x1b: {  	s9 =	sadd.s32 $0xFFFFFEF7, lr;
	s5 =	simm.s32 $0xFFFFFFFF;
	p2 =	slt.u32 s8, $0xFFFFF086  }
0x1c: {  	p1 =	slt.u32 s9, $0xF7A;
	s5 =	simm.s32 @!p2 $0x0  }
0x1d: {  	s5 =	simm.s32 @p1 $0x1;
	p0 =	seq.s32 s7, s2  }
0x1e: {  	s7 =	smul.u32 @!p0 $0xF7A, s2;
	p2 =	seq.s32 @!p0 s5, $0x0  }
0x1f: {  	s9 =	smul.u32 $0xF7A, s1;
	s8 =	simm.s32 @!p0 $0x1BF5;
	p2 =	por !p2, p0  }
0x20: {  	[sflag:s8] =	ssyncset.s32 @!p0 $0xFFFFF086;
	s6 =	sadd.s32 @!p0 s3, s7;
	s7 =	simm.s32 @!p0 $0x108  }
0x21: {  	s3 =	sadd.s32 s3, s9;
	s6 =	sadd.s32 @!p0 $0x88, s6;
	s7 =	simm.s32 @p2 $0x1082  }
0x22: {  	[simem:s7], [sflag:s8] =	dma.local @!p0 [hbm:s6], $0xF7A  }
0x23: {  	s9 =	sor.u32 $0xD0000000, s2;
	s6 =	simm.s32 $0x108;
	_ =	swait.ge @!p0 [sflag:s8], $0x0  }
0x24: {  	s3 =	sadd.s32 $0x88, s3;
	s6 =	simm.s32 @!p1 $0x1082;
	[sflag:s4] =	ssyncset.s32 $0xFFFFF086  }
0x25: {  	[simem:s6], [sflag:s4] =	dma.local [hbm:s3], $0xF7A  }
0x26: {  	[smem:$0x3F9D] =	sst s1;
	(tag) =	ssettag s2;
	_ =	strace s9  }
0x27: {  	s1 =	sld [smem:$0x3FAD]  }
0x28: {  	s2 =	sld [smem:$0x3FAE]  }
0x29: {  	s4 =	sld [smem:$0x3FB0]  }
0x2a: {  	p0 =	seq.s32 s5, $0x0;
	s5 =	sld [smem:$0x3FB1]  }
0x2b: {  	s6 =	sld [smem:$0x3FB2]  }
0x2c: {  	s7 =	sld [smem:$0x3FB3]  }
0x2d: {  	s3 =	simm.s32 $0x108;
	s8 =	sld [smem:$0x3FB4]  }
0x2e: {  	s3 =	simm.s32 @!p0 $0x1082;
	s9 =	sld [smem:$0x3FB5]  }
0x2f: {  	lr =	sadd.s32 s0, s3;
	s0 =	sld [smem:$0x3FAC]  }
0x30: {  	s3 =	sld [smem:$0x3FAF]  }
0x31: {  	[smem:$0x3FB8] =	sst s10  }
0x32: {  	s10 =	sld [smem:$0x3FB6];
	_ =	sdelay $0x3  }
0x33: {  	p0 =	seq.s32 s10, $0x1;
	s10 =	sld [smem:$0x3FB8];
	_ =	sdelay $0x3  }
0x34: {  	[smem:$0x3FB8] =	sst s10  }
0x35: {  	s10 =	sld [smem:$0x3FB7];
	_ =	sdelay $0x3  }
0x36: {  	p1 =	seq.s32 s10, $0x1;
	s10 =	sld [smem:$0x3FB8];
	_ =	sdelay $0x3  }
0x37: {  	[smem:$0x3FB8] =	sst s10  }
0x38: {  	s10 =	sld [smem:$0x3FB9]  }
0x39: {  	_ = 	snop;
	(pc) =	sbr.ind lr, $3  }
0x3a: {  	_ = 	snop  }
0x3b: {  	_ = 	snop  }
0x3c: {  	p2 =	seq.s32 s10, $0x1;
	s10 =	sld [smem:$0x3FB8]  }
0x3d: {  	_ =	shalt  }
0x3e: {  	_ =	shalt  }
0x3f: {  	_ =	shalt  }
0x40: {  	_ =	shalt  }
0x41: {  	_ =	shalt  }
0x42: {  	_ =	shalt  }
0x43: {  	_ =	shalt  }
0x44: {  	_ =	shalt  }
0x45: {  	_ =	shalt  }
0x46: {  	_ =	shalt  }
0x47: {  	_ =	shalt  }
0x48: {  	_ =	shalt  }
0x49: {  	_ =	shalt  }
0x4a: {  	_ =	shalt  }
0x4b: {  	_ =	shalt  }
0x4c: {  	_ =	shalt  }
0x4d: {  	_ =	shalt  }
0x4e: {  	_ =	shalt  }
0x4f: {  	_ =	shalt  }
0x50: {  	_ =	shalt  }
0x51: {  	_ =	shalt  }
0x52: {  	_ =	shalt  }
0x53: {  	_ =	shalt  }
0x54: {  	_ =	shalt  }
0x55: {  	_ =	shalt  }
0x56: {  	_ =	shalt  }
0x57: {  	_ =	shalt  }
0x58: {  	_ =	shalt  }
0x59: {  	_ =	shalt  }
0x5a: {  	_ =	shalt  }
0x5b: {  	_ =	shalt  }
0x5c: {  	_ =	shalt  }
0x5d: {  	_ =	shalt  }
0x5e: {  	_ =	shalt  }
0x5f: {  	_ =	shalt  }
0x60: {  	_ =	shalt  }
0x61: {  	_ =	shalt  }
0x62: {  	_ =	shalt  }
0x63: {  	_ =	shalt  }
0x64: {  	_ =	shalt  }
0x65: {  	_ =	shalt  }
0x66: {  	_ =	shalt  }
0x67: {  	_ =	shalt  }
0x68: {  	_ =	shalt  }
0x69: {  	_ =	shalt  }
0x6a: {  	_ =	shalt  }
0x6b: {  	_ =	shalt  }
0x6c: {  	_ =	shalt  }
0x6d: {  	_ =	shalt  }
0x6e: {  	_ =	shalt  }
0x6f: {  	_ =	shalt  }
0x70: {  	_ =	shalt  }
0x71: {  	_ =	shalt  }
0x72: {  	_ =	shalt  }
0x73: {  	_ =	shalt  }
0x74: {  	_ =	shalt  }
0x75: {  	_ =	shalt  }
0x76: {  	_ =	shalt  }
0x77: {  	_ =	shalt  }
0x78: {  	_ =	shalt  }
0x79: {  	_ =	shalt  }
0x7a: {  	_ =	shalt  }
0x7b: {  	_ =	shalt  }
0x7c: {  	_ =	shalt  }
0x7d: {  	_ =	shalt  }
0x7e: {  	_ =	shalt  }
0x7f: {  	_ =	shalt  }
0x80: {  	_ =	shalt  }
0x81: {  	_ =	shalt  }
0x82: {  	_ =	shalt  }
0x83: {  	_ =	shalt  }
0x84: {  	_ =	shalt  }
0x85: {  	_ =	shalt  }
0x86: {  	_ =	shalt  }
0x87: {  	_ =	shalt  }
.Lfunc_end0:
.L_simem_size_0:
called_computation_lowered:
.L_overlay_start_0:
0x88: {  	s2 =	sld [smem:$0x3FD9]  }
0x89: {  	s3 =	sld [smem:$0x3FFE];
	_ =	sdelay $0x1  }
0x8a: {  	s1 =	srdreg.scid  }
0x8b: {  	s0 =	sand.u32 $0x1, s1  }
0x8c: {  	s17 =	sshll.u32 s0, $0xA;
	s2 =	sadd.s32 s3, s2  }
0x8d: {  	s2 =	sadd.s32 s2, s17  }
0x8e: {  	[smem:$0x3FC4] =	sst s2  }
0x8f: {  	_ = 	snop  }
0x90: {  	s2 =	sld [smem:$0x3FC9]  }
0x91: {  	s18 =	sld [smem:$0x3FC8]  }
0x92: {  	s4 =	sld [smem:$0x3FD0];
	(tm) =	ssettm $0x1  }
0x93: {  	s5 =	sld [smem:$0x3FFB];
	_ =	sdelay $0x3  }
0x94: {  	_ =	strace s5  }
0x95: {  	s5 =	sld [smem:$0x3FFC];
	_ =	sdelay $0x3  }
0x96: {  	_ =	strace s5  }
0x97: {  	s5 =	sld [smem:$0x3FFD];
	_ =	sdelay $0x3  }
0x98: {  	_ =	strace s5  }
0x99: {  	_ =	strace $0x8FFFFFFF  }
0x9a: {  	s19 =	sld [smem:$0x3FDB];
	_ =	sdelay $0x1  }
0x9b: {  	s6 =	simm.s32 $_scs_section_size  }
0x9c: {  	s7 =	simm.s32 $_size__tile_overlayer_lowered;
	s8 =	simm.s32 $_tile_overlayer_lowered  }
0x9d: {  	s22 =	simm.s32 $0x1BFF;
	s21 =	sshll.u32 s8, $0x1;
	s5 =	sadd.s32 s6, s19  }
0x9e: {  	s9 =	simm.s32 $0x0;
	s20 =	sshll.u32 s7, $0x1;
	s7 =	sadd.s32 s21, s5  }
0x9f: {  	[timem:s9], [sflag:s22] =	dma.local [hbm:s7], s20  }
0xa0: {  	_ =	swait.ge [sflag:s22], s20  }
0xa1: {  	s6 =	ssub.s32 $0x0, s20;
	[sflag:s22] =	ssyncset.done $0x0  }
0xa2: {  	[sflag:s22] =	ssyncadd.s32 s6;
	_ =	sdelay $0x1  }
0xa3: {  	s23 =	simm.s32 $0x1B8B  }
0xa4: {  	_ =	swait.ge [sflag:s23], $0x1  }
0xa5: {  	[sflag:s23] =	ssyncset.done $0x0  }
0xa6: {  	s25 =	simm.s32 $0x1B8E;
	s24 =	sld [smem:$0x3FFE];
	[sflag:s23] =	ssyncadd.s32 $0xFFFFFFFF  }
0xa7: {  	s26 =	simm.s32 $execute0_lowered;
	[smem:$0x3FD2] =	sst s25  }
0xa8: {  	s7 =	sshll.u32 s26, $0x1;
	_ =	strace $0x80000046;
	[dreg:$0x1] =	wrdreg $0xFFFFFFFF  }
0xa9: {  	s28 =	simm.s32 $_size_execute0_lowered;
	s5 =	sadd.s32 s5, s7;
	[dreg:$0x0] =	wrdreg $0x0  }
0xaa: {  	s7 =	sshll.u32 s28, $0x1;
	[dreg:$0x2] =	wrdreg s5  }
0xab: {  	[dreg:$0x3] =	wrdreg s7  }
0xac: {  	[dreg:$0x4] =	wrdreg $0xC0  }
0xad: {  	_ =	task [dreg:s9], $0x5FFFF  }
0xae: {  	[dreg:$0x1] =	wrdreg $0xFFFFFFFF  }
0xaf: {  	[dreg:$0x0] =	wrdreg $0x60  }
0xb0: {  	[dreg:$0x2] =	wrdreg s2  }
0xb1: {  	[dreg:$0x3] =	wrdreg s18  }
0xb2: {  	[dreg:$0x4] =	wrdreg s24  }
0xb3: {  	[dreg:$0x5] =	wrdreg s4  }
0xb4: {  	[dreg:$0x6] =	wrdreg $0x9  }
0xb5: {  	_ =	task.clear_ibuf [dreg:s9], $0x7FFFF;
	_ =	strace $0x90000046  }
0xb6: {  	s29 =	simm.s32 $0x9;
	_ =	strace $0x80000048  }
0xb7: {  	_ =	swait.ge [sflag:s29], $0x1  }
0xb8: {  	[sflag:s29] =	ssyncadd.s32 $0xFFFFFFFF  }
0xb9: {  	_ =	strace $0x90000048  }
0xba: {  	_ =	sfence  }
0xbb: {  	s30 =	sld [smem:$0x0];
	_ =	sdelay $0x2  }
0xbc: {  	s31 =	sshll.u32 s1, $0xD;
	s1 =	sshrl.u32 s1, $0x2  }
0xbd: {  	s3 =	sand.u32 $0x4000, s31;
	s1 =	sadd.s32 s1, s30  }
0xbe: {  	s0 =	sor.u32 s3, s0;
	s1 =	sshll.u32 s1, $0x11  }
0xbf: {  	s0 =	sor.u32 s1, s0  }
0xc0: {  	s0 =	sadd.s32 $0x8F2B, s0  }
0xc1: {  	[sflag:s0] =	ssyncadd.remote.s32 $0x1  }
0xc2: {  	_ =	sfence.sel $0xFFFF  }
0xc3: {  	[dreg:$0x0] =	wrdreg $0xFFFFFFFF;
	(pc) =	sbr.abs _section_cstart, $3  }
0xc4: {  	[dreg:$0x1] =	wrdreg $0xFFFFFFFF  }
0xc5: {  	_ =	task.clear_ibuf [dreg:s9], $0x2FFFF;
	_ =	strace $0x9FFFFFFF  }
0xc6: {  	(tm) =	ssettm $0x7FFFFFFF  }
0xc7: {  	_ =	shalt  }
tec
execute0_lowered:
.L_overlay_start_1:
0x0: {  	(tag) =	ssettag $0x1  }
0x1: {  	s0 =	rddreg [dreg:$0x0]  }
0x2: {  	s2 =	rddreg [dreg:$0x1]  }
0x3: {  	s4 =	rddreg [dreg:$0x2]  }
0x4: {  	s5 =	rddreg [dreg:$0x3];
	s6 =	srdreg.scid  }
0x5: {  	s3 =	simm.s32 $0x0;
	s1 =	stileid.u32;
	s6 =	sand.u32 $0x1, s6  }
0x6: {  	s8 =	sshll.u32 s1, $0x6;
	s7 =	ssub.s32 $0x2, s6;
	s6 =	sshll.u32 s6, $0xA  }
0x7: {  	[smem:$0x7FF] =	sst s3;
	s6 =	sor.u32 s8, s6  }
0x8: {  	s15 =	sadd.s32 $0x400, s4;
	_ =	strace $0x80000047;
	s0 =	sadd.s32 s0, s6  }
0x9: {  	s9 =	sshrl.u32 s7, $0x1;
	s29 =	sadd.s32 s2, s6;
	[dreg:$0xe] =	wrdreg s0  }
0xa: {  	v0 =	vlaneseq.u32;
	s7 =	ssub.s32 s7, s9;
	s30 =	sadd.s32 s5, s6;
	[dreg:$0xf] =	wrdreg s29  }
0xb: {  	s4 =	sadd.s32 $0xF42800, s4;
	v0 =	vmul.u32 $0x80, v0;
	[dreg:$0x10] =	wrdreg s30;
	s31 =	smax.u32 s7, $0x1  }
0xc: {  	s1 =	simm.s32 $0x3;
	s2 =	simm.s32 $0x0;
	[dreg:$0x11] =	wrdreg s31  }
.LBB2_1:
0xd: {  	[dreg:$0x12] =	wrdreg s2  }
0xe: {  	s0 =	rddreg [dreg:$0xe]  }
0xf: {  	[tilespmem:s3], [sflag:$0x3] =	stream.linear.gather [hbm4b:s0+s3], $0x200, $0x38;
	[tilespmem:$0x8600] =	vst v63  }
0x10: {  	_ =	swait.ge [sflag:s1], $0x200  }
0x11: {  	[sflag:s1] =	ssyncset.done $0x0  }
0x12: {  	s12 =	simm.s32 $0x200;
	s31 =	rddreg [dreg:$0xf];
	[sflag:s1] =	ssyncadd.s32 $0xFFFFFE00  }
0x13: {  	[tilespmem:s12], [sflag:$0x3] =	stream.linear.gather [hbm4b:s31+s3], $0x200, $0x38;
	[tilespmem:$0x8600] =	vst v63  }
0x14: {  	_ =	swait.ge [sflag:s1], $0x200  }
0x15: {  	s2 =	simm.s32 $0x8400;
	[sflag:s1] =	ssyncset.done $0x0  }
0x16: {  	s5 =	simm.s32 $0x0;
	[sflag:s1] =	ssyncadd.s32 $0xFFFFFE00;
	s1 =	simm.s32 $0x0  }
.LBB2_2:
0x17: {  	v1 =	vld [tilespmem:s1+$0x0];
	_ =	sdelay $0x1  }
0x18: {  	v3 =	vld [tilespmem:s12+$0x0];
	_ =	sdelay $0x2  }
0x19: {  	v2 =	vshll.u32 v1, $0x4  }
0x1a: {  	(v2sf) =	vpush v2, $0x0  }
0x1b: {  	v1 =	vshll.u32 v3, $0x4  }
0x1c: {  	(v2sf) =	vpush v1, $0x0  }
0x1d: {  	(v2sf) =	vpush v2, $0x1;
	_ =	sdelay $0x1  }
0x1e: {  	(v2sf) =	vpush v1, $0x1;
	_ =	sdelay $0x1  }
0x1f: {  	(v2sf) =	vpush v2, $0x2;
	_ =	sdelay $0x1  }
0x20: {  	[dreg:$0x16] =	wrdreg s5;
	(v2sf) =	vpush v1, $0x2  }
0x21: {  	[dreg:$0x14] =	wrdreg s2  }
0x22: {  	s21 =	simm.s32 $0x2000;
	s20 =	simm.s32 $0x0;
	s6 =	simm.s32 $0x4400;
	(v2sf) =	vpush v2, $0x3  }
0x23: {  	s2 =	simm.s32 $0x680;
	s5 =	simm.s32 $0x880;
	s7 =	simm.s32 $0x400  }
0x24: {  	s9 =	simm.s32 $0x600;
	s0 =	simm.s32 $0x4900;
	s10 =	simm.s32 $0x580  }
0x25: {  	s18 =	simm.s32 $0x480;
	s23 =	simm.s32 $0x4480;
	s25 =	simm.s32 $0x500  }
0x26: {  	s13 =	simm.s32 $0x4500;
	[dreg:$0x13] =	wrdreg s12;
	s8 =	spop (v2sf);
	(v2sf) =	vpush v1, $0x3  }
0x27: {  	s28 =	simm.s32 $0x4A00;
	s30 =	simm.s32 $0xA00;
	[dreg:$0x15] =	wrdreg s1  }
0x28: {  	s29 =	simm.s32 $0xB00;
	s8 =	sand.u32 $0x1FFFFFF0, s8;
	s11 =	spop (v2sf);
	(v2sf) =	vpush v2, $0x4  }
0x29: {  	s8 =	sadd.s32 s15, s8;
	s16 =	sand.u32 $0x1FFFFFF0, s11;
	s17 =	spop (v2sf)  }
0x2a: {  	[tilespmem:s7], [sflag:$0x1] =	stream.linear.gather [hbm4b:s8+s3], $0x80, $0x38;
	[tilespmem:$0x8600] =	vst v63  }
0x2b: {  	(v2sf) =	vpush v1, $0x4;
	s8 =	sadd.s32 s4, s16;
	s11 =	sand.u32 $0x1FFFFFF0, s17;
	s14 =	spop (v2sf)  }
0x2c: {  	(v2sf) =	vpush v2, $0x5;
	[tilespmem:s6], [sflag:$0x2] =	stream.linear.gather [hbm4b:s8+s3], $0x80, $0x38;
	[tilespmem:$0x8600] =	vst v63  }
0x2d: {  	s19 =	sadd.s32 s15, s11;
	s22 =	sand.u32 $0x1FFFFFF0, s14;
	s24 =	spop (v2sf);
	(v2sf) =	vpush v1, $0x5  }
0x2e: {  	[tilespmem:s18], [sflag:$0x1] =	stream.linear.gather [hbm4b:s19+s3], $0x80, $0x38;
	[tilespmem:$0x8600] =	vst v63  }
0x2f: {  	s11 =	sadd.s32 s4, s22;
	(v2sf) =	vpush v2, $0x6;
	s8 =	sand.u32 $0x1FFFFFF0, s24;
	s26 =	spop (v2sf)  }
0x30: {  	[tilespmem:s23], [sflag:$0x2] =	stream.linear.gather [hbm4b:s11+s3], $0x80, $0x38;
	[tilespmem:$0x8600] =	vst v63  }
0x31: {  	s8 =	sadd.s32 s15, s8;
	s31 =	spop (v2sf);
	s11 =	sand.u32 $0x1FFFFFF0, s26  }
0x32: {  	[tilespmem:s25], [sflag:$0x1] =	stream.linear.gather [hbm4b:s8+s3], $0x80, $0x38;
	[tilespmem:$0x8600] =	vst v63  }
0x33: {  	s7 =	simm.s32 $0x4580;
	(v2sf) =	vpush v1, $0x6;
	s17 =	sand.u32 $0x1FFFFFF0, s31;
	s16 =	sadd.s32 s4, s11  }
0x34: {  	[tilespmem:s13], [sflag:$0x2] =	stream.linear.gather [hbm4b:s16+s3], $0x80, $0x38;
	[tilespmem:$0x8600] =	vst v63  }
0x35: {  	s6 =	simm.s32 $0x700;
	s11 =	sadd.s32 s15, s17;
	s18 =	spop (v2sf)  }
0x36: {  	[tilespmem:s10], [sflag:$0x1] =	stream.linear.gather [hbm4b:s11+s3], $0x80, $0x38;
	[tilespmem:$0x8600] =	vst v63  }
0x37: {  	s19 =	simm.s32 $0x4600;
	(v2sf) =	vpush v2, $0x7;
	s8 =	sand.u32 $0x1FFFFFF0, s18;
	s22 =	spop (v2sf)  }
0x38: {  	s26 =	simm.s32 $0x4680;
	s8 =	sadd.s32 s4, s8;
	s11 =	sand.u32 $0x1FFFFFF0, s22  }
0x39: {  	(v2sf) =	vpush v1, $0x7;
	[tilespmem:s7], [sflag:$0x2] =	stream.linear.gather [hbm4b:s8+s3], $0x80, $0x38;
	[tilespmem:$0x8600] =	vst v63  }
0x3a: {  	s13 =	simm.s32 $0xA80;
	s23 =	spop (v2sf);
	(v2sf) =	vpush v2, $0x8;
	s24 =	sadd.s32 s15, s11  }
0x3b: {  	s25 =	sand.u32 $0x1FFFFFF0, s23;
	s31 =	spop (v2sf);
	s11 =	simm.s32 $0x4A80  }
0x3c: {  	(v2sf) =	vpush v1, $0x8;
	s23 =	simm.s32 $0x4700;
	s8 =	sadd.s32 s4, s25;
	s14 =	spop (v2sf)  }
0x3d: {  	(v2sf) =	vpush v2, $0x9;
	[tilespmem:s9], [sflag:$0x1] =	stream.linear.gather [hbm4b:s24+s3], $0x80, $0x38;
	[tilespmem:$0x8600] =	vst v63  }
0x3e: {  	s9 =	sand.u32 $0x1FFFFFF0, s31;
	s10 =	sand.u32 $0x1FFFFFF0, s14;
	s16 =	spop (v2sf)  }
0x3f: {  	(v2sf) =	vpush v1, $0x9;
	[tilespmem:s19], [sflag:$0x2] =	stream.linear.gather [hbm4b:s8+s3], $0x80, $0x38;
	[tilespmem:$0x8600] =	vst v63  }
0x40: {  	s9 =	sadd.s32 s15, s9;
	s17 =	sadd.s32 s4, s10;
	s18 =	sand.u32 $0x1FFFFFF0, s16  }
0x41: {  	(v2sf) =	vpush v2, $0xA;
	[tilespmem:s2], [sflag:$0x1] =	stream.linear.gather [hbm4b:s9+s3], $0x80, $0x38;
	[tilespmem:$0x8600] =	vst v63  }
0x42: {  	s10 =	simm.s32 $0x4780;
	s16 =	simm.s32 $0x800;
	s19 =	spop (v2sf)  }
0x43: {  	(v2sf) =	vpush v1, $0xA;
	[tilespmem:s26], [sflag:$0x2] =	stream.linear.gather [hbm4b:s17+s3], $0x80, $0x38;
	[tilespmem:$0x8600] =	vst v63  }
0x44: {  	s22 =	sadd.s32 s15, s18;
	s7 =	sand.u32 $0x1FFFFFF0, s19;
	s19 =	simm.s32 $0x4800  }
0x45: {  	[tilespmem:s6], [sflag:$0x1] =	stream.linear.gather [hbm4b:s22+s3], $0x80, $0x38;
	[tilespmem:$0x8600] =	vst v63  }
0x46: {  	s2 =	simm.s32 $0x4980;
	s7 =	sadd.s32 s4, s7;
	s24 =	spop (v2sf)  }
0x47: {  	(v2sf) =	vpush v2, $0xB;
	[tilespmem:s23], [sflag:$0x2] =	stream.linear.gather [hbm4b:s7+s3], $0x80, $0x38;
	[tilespmem:$0x8600] =	vst v63  }
0x48: {  	s26 =	simm.s32 $0x780;
	s9 =	sand.u32 $0x1FFFFFF0, s24;
	s25 =	spop (v2sf)  }
0x49: {  	(v2sf) =	vpush v1, $0xB;
	s31 =	sadd.s32 s15, s9;
	s6 =	sand.u32 $0x1FFFFFF0, s25;
	s14 =	spop (v2sf)  }
0x4a: {  	[tilespmem:s26], [sflag:$0x1] =	stream.linear.gather [hbm4b:s31+s3], $0x80, $0x38;
	[tilespmem:$0x8600] =	vst v63  }
0x4b: {  	s24 =	simm.s32 $0x4880;
	s9 =	sadd.s32 s4, s6;
	s17 =	spop (v2sf)  }
0x4c: {  	s8 =	sand.u32 $0x1FFFFFF0, s14;
	s26 =	simm.s32 $0x900;
	s18 =	spop (v2sf)  }
0x4d: {  	(v2sf) =	vpush v2, $0xC;
	[tilespmem:s10], [sflag:$0x2] =	stream.linear.gather [hbm4b:s9+s3], $0x80, $0x38;
	[tilespmem:$0x8600] =	vst v63  }
0x4e: {  	s8 =	sadd.s32 s15, s8;
	s9 =	sand.u32 $0x1FFFFFF0, s17;
	s25 =	spop (v2sf)  }
0x4f: {  	(v2sf) =	vpush v1, $0xC;
	[tilespmem:s16], [sflag:$0x1] =	stream.linear.gather [hbm4b:s8+s3], $0x80, $0x38;
	[tilespmem:$0x8600] =	vst v63  }
0x50: {  	s23 =	sand.u32 $0x1FFFFFF0, s18;
	s22 =	sadd.s32 s4, s9;
	s31 =	spop (v2sf)  }
0x51: {  	[tilespmem:s19], [sflag:$0x2] =	stream.linear.gather [hbm4b:s22+s3], $0x80, $0x38;
	[tilespmem:$0x8600] =	vst v63  }
0x52: {  	s9 =	sadd.s32 s15, s23;
	s8 =	sand.u32 $0x1FFFFFF0, s25;
	s6 =	spop (v2sf)  }
0x53: {  	[tilespmem:s5], [sflag:$0x1] =	stream.linear.gather [hbm4b:s9+s3], $0x80, $0x38;
	[tilespmem:$0x8600] =	vst v63  }
0x54: {  	s25 =	sadd.s32 $0x10, s12;
	s8 =	sadd.s32 s4, s8;
	s9 =	sand.u32 $0x1FFFFFF0, s31  }
0x55: {  	[tilespmem:s24], [sflag:$0x2] =	stream.linear.gather [hbm4b:s8+s3], $0x80, $0x38;
	[tilespmem:$0x8600] =	vst v63  }
0x56: {  	s14 =	sand.u32 $0x1FFFFFF0, s6;
	s9 =	sadd.s32 s15, s9;
	s16 =	spop (v2sf)  }
0x57: {  	[tilespmem:s26], [sflag:$0x1] =	stream.linear.gather [hbm4b:s9+s3], $0x80, $0x38;
	[tilespmem:$0x8600] =	vst v63  }
0x58: {  	s17 =	sadd.s32 s4, s14;
	s18 =	sand.u32 $0x1FFFFFF0, s16;
	s19 =	spop (v2sf)  }
0x59: {  	(v2sf) =	vpush v2, $0xD;
	[tilespmem:s0], [sflag:$0x2] =	stream.linear.gather [hbm4b:s17+s3], $0x80, $0x38;
	[tilespmem:$0x8600] =	vst v63  }
0x5a: {  	s22 =	simm.s32 $0x980;
	(v2sf) =	vpush v1, $0xD;
	s23 =	sadd.s32 s15, s18;
	s24 =	sand.u32 $0x1FFFFFF0, s19  }
0x5b: {  	(v2sf) =	vpush v2, $0xE;
	[tilespmem:s22], [sflag:$0x1] =	stream.linear.gather [hbm4b:s23+s3], $0x80, $0x38;
	[tilespmem:$0x8600] =	vst v63  }
0x5c: {  	s8 =	simm.s32 $0x4B00;
	s26 =	sadd.s32 s4, s24;
	(v2sf) =	vpush v1, $0xE;
	s31 =	spop (v2sf)  }
0x5d: {  	(v2sf) =	vpush v2, $0xF;
	[tilespmem:s2], [sflag:$0x2] =	stream.linear.gather [hbm4b:s26+s3], $0x80, $0x38;
	[tilespmem:$0x8600] =	vst v63  }
0x5e: {  	s0 =	sand.u32 $0x1FFFFFF0, s31;
	(v2sf) =	vpush v1, $0xF;
	s26 =	sadd.s32 $0x10, s1;
	s2 =	spop (v2sf)  }
.LBB2_3:
0x5f: {  	_ =	sdelay $0x4  }
0x60: {  	s0 =	sadd.s32 s15, s0;
	s2 =	sand.u32 $0x1FFFFFF0, s2  }
0x61: {  	[tilespmem:s30], [sflag:$0x1] =	stream.linear.gather [hbm4b:s0+s3], $0x80, $0x38;
	[tilespmem:$0x8600] =	vst v63  }
0x62: {  	s6 =	sadd.s32 s4, s2  }
0x63: {  	[tilespmem:s28], [sflag:$0x2] =	stream.linear.gather [hbm4b:s6+s3], $0x80, $0x38;
	[tilespmem:$0x8600] =	vst v63  }
0x64: {  	s5 =	spop (v2sf)  }
0x65: {  	s7 =	sand.u32 $0x1FFFFFF0, s5;
	s9 =	spop (v2sf)  }
0x66: {  	s10 =	sadd.s32 s15, s7;
	s12 =	sand.u32 $0x1FFFFFF0, s9;
	s14 =	spop (v2sf)  }
0x67: {  	[tilespmem:s13], [sflag:$0x1] =	stream.linear.gather [hbm4b:s10+s3], $0x80, $0x38;
	[tilespmem:$0x8600] =	vst v63  }
0x68: {  	s16 =	sadd.s32 s4, s12;
	s17 =	sand.u32 $0x1FFFFFF0, s14;
	s18 =	spop (v2sf)  }
0x69: {  	[tilespmem:s11], [sflag:$0x2] =	stream.linear.gather [hbm4b:s16+s3], $0x80, $0x38;
	[tilespmem:$0x8600] =	vst v63  }
0x6a: {  	s19 =	sadd.s32 s15, s17;
	s22 =	sand.u32 $0x1FFFFFF0, s18;
	s23 =	spop (v2sf)  }
0x6b: {  	[tilespmem:s29], [sflag:$0x1] =	stream.linear.gather [hbm4b:s19+s3], $0x80, $0x38;
	[tilespmem:$0x8600] =	vst v63  }
0x6c: {  	s24 =	sadd.s32 s4, s22;
	s31 =	sand.u32 $0x1FFFFFF0, s23;
	s1 =	spop (v2sf)  }
0x6d: {  	[tilespmem:s8], [sflag:$0x2] =	stream.linear.gather [hbm4b:s24+s3], $0x80, $0x38;
	[tilespmem:$0x8600] =	vst v63  }
0x6e: {  	s6 =	sadd.s32 $0xB80, s20;
	s2 =	sadd.s32 s15, s31;
	s5 =	sand.u32 $0x1FFFFFF0, s1  }
0x6f: {  	[tilespmem:s6], [sflag:$0x1] =	stream.linear.gather [hbm4b:s2+s3], $0x80, $0x38;
	[tilespmem:$0x8600] =	vst v63  }
0x70: {  	s7 =	sadd.s32 $0x4B80, s20;
	s8 =	sadd.s32 s4, s5  }
0x71: {  	[tilespmem:s7], [sflag:$0x2] =	stream.linear.gather [hbm4b:s8+s3], $0x80, $0x38;
	[tilespmem:$0x8600] =	vst v63  }
0x72: {  	v1 =	vld [tilespmem:s26+$0x0];
	_ =	sdelay $0x1  }
0x73: {  	v3 =	vld [tilespmem:s25+$0x0];
	_ =	sdelay $0x2  }
0x74: {  	v2 =	vshll.u32 v1, $0x4  }
0x75: {  	(v2sf) =	vpush v2, $0x0  }
0x76: {  	v1 =	vshll.u32 v3, $0x4  }
0x77: {  	s9 =	smov.u32 s21;
	(v2sf) =	vpush v1, $0x0  }
0x78: {  	p0 =	sne.s32 s21, $0xE000;
	s20 =	sshra.s32 s9, $0x2;
	(v2sf) =	vpush v2, $0x1  }
0x79: {  	s21 =	sadd.s32 $0x2000, s21;
	s14 =	sadd.s32 $0x4400, s20;
	s0 =	sadd.s32 $0x680, s20  }
0x7a: {  	s10 =	sadd.s32 $0x880, s20;
	s28 =	sadd.s32 $0x4A00, s20;
	s13 =	sadd.s32 $0xA80, s20;
	(v2sf) =	vpush v1, $0x1  }
0x7b: {  	s17 =	sadd.s32 $0x4680, s20;
	s18 =	sadd.s32 $0x700, s20;
	s12 =	sadd.s32 $0x4880, s20  }
0x7c: {  	s30 =	sadd.s32 $0xA00, s20;
	s9 =	sadd.s32 $0x4780, s20;
	[dreg:$0xd] =	wrdreg s0;
	(v2sf) =	vpush v2, $0x2  }
0x7d: {  	[dreg:$0x7] =	wrdreg s10;
	s10 =	sadd.s32 $0x600, s20;
	s11 =	sadd.s32 $0x4900, s20  }
0x7e: {  	s22 =	sadd.s32 $0x580, s20;
	s0 =	sadd.s32 $0x4580, s20;
	[dreg:$0x9] =	wrdreg s12;
	(v2sf) =	vpush v1, $0x2  }
0x7f: {  	s16 =	sadd.s32 $0x4700, s20;
	s23 =	sadd.s32 $0x4800, s20;
	[dreg:$0x5] =	wrdreg s11;
	(v2sf) =	vpush v2, $0x3  }
0x80: {  	s31 =	sadd.s32 $0x4500, s20;
	s1 =	sadd.s32 $0x4980, s20;
	[dreg:$0xb] =	wrdreg s23  }
0x81: {  	s11 =	sadd.s32 $0x4A80, s20;
	[dreg:$0x6] =	wrdreg s1;
	s19 =	sadd.s32 $0x900, s20;
	(v2sf) =	vpush v1, $0x3  }
0x82: {  	s23 =	sadd.s32 $0x480, s20;
	s29 =	sadd.s32 $0xB00, s20;
	[dreg:$0x8] =	wrdreg s19  }
0x83: {  	s19 =	sadd.s32 $0x780, s20;
	s5 =	sadd.s32 $0x4480, s20;
	s24 =	sadd.s32 $0x800, s20;
	(v2sf) =	vpush v2, $0x4  }
0x84: {  	[dreg:$0xc] =	wrdreg s24;
	s6 =	sadd.s32 $0x400, s20;
	s24 =	spop (v2sf)  }
0x85: {  	s2 =	sadd.s32 $0x500, s20;
	s3 =	sadd.s32 $0x980, s20;
	s24 =	sand.u32 $0x1FFFFFF0, s24  }
0x86: {  	[dreg:$0xa] =	wrdreg s3;
	s12 =	spop (v2sf);
	s24 =	sadd.s32 s15, s24  }
0x87: {  	(v2sf) =	vpush v1, $0x4;
	s1 =	sand.u32 $0x1FFFFFF0, s12;
	s12 =	simm.s32 $0x0;
	s3 =	spop (v2sf)  }
0x88: {  	[tilespmem:s6], [sflag:$0x1] =	stream.linear.gather [hbm4b:s24+s12], $0x80, $0x38;
	[tilespmem:$0x8600] =	vst v63  }
0x89: {  	(v2sf) =	vpush v2, $0x5;
	s1 =	sadd.s32 s4, s1;
	s3 =	sand.u32 $0x1FFFFFF0, s3;
	s24 =	spop (v2sf)  }
0x8a: {  	(v2sf) =	vpush v1, $0x5;
	[tilespmem:s14], [sflag:$0x2] =	stream.linear.gather [hbm4b:s1+s12], $0x80, $0x38;
	[tilespmem:$0x8600] =	vst v63  }
0x8b: {  	s3 =	sadd.s32 s15, s3;
	s14 =	sand.u32 $0x1FFFFFF0, s24;
	s24 =	spop (v2sf)  }
0x8c: {  	(v2sf) =	vpush v2, $0x6;
	[tilespmem:s23], [sflag:$0x1] =	stream.linear.gather [hbm4b:s3+s12], $0x80, $0x38;
	[tilespmem:$0x8600] =	vst v63  }
0x8d: {  	s7 =	sadd.s32 $0x4600, s20;
	s23 =	sand.u32 $0x1FFFFFF0, s24;
	s24 =	spop (v2sf)  }
0x8e: {  	s8 =	sadd.s32 $0x4B00, s20;
	s14 =	sadd.s32 s4, s14;
	(v2sf) =	vpush v1, $0x6;
	s6 =	spop (v2sf)  }
0x8f: {  	[tilespmem:s5], [sflag:$0x2] =	stream.linear.gather [hbm4b:s14+s12], $0x80, $0x38;
	[tilespmem:$0x8600] =	vst v63  }
0x90: {  	s3 =	sadd.s32 s15, s23;
	(v2sf) =	vpush v2, $0x7;
	s5 =	sand.u32 $0x1FFFFFF0, s24;
	s24 =	spop (v2sf)  }
0x91: {  	(v2sf) =	vpush v1, $0x7;
	[tilespmem:s2], [sflag:$0x1] =	stream.linear.gather [hbm4b:s3+s12], $0x80, $0x38;
	[tilespmem:$0x8600] =	vst v63  }
0x92: {  	s23 =	sand.u32 $0x1FFFFFF0, s6;
	s14 =	sadd.s32 s4, s5;
	s5 =	spop (v2sf)  }
0x93: {  	(v2sf) =	vpush v2, $0x8;
	[tilespmem:s31], [sflag:$0x2] =	stream.linear.gather [hbm4b:s14+s12], $0x80, $0x38;
	[tilespmem:$0x8600] =	vst v63  }
0x94: {  	s25 =	sadd.s32 $0x10, s25;
	s2 =	sadd.s32 s15, s23;
	s3 =	sand.u32 $0x1FFFFFF0, s24  }
0x95: {  	[tilespmem:s22], [sflag:$0x1] =	stream.linear.gather [hbm4b:s2+s12], $0x80, $0x38;
	[tilespmem:$0x8600] =	vst v63  }
0x96: {  	s26 =	sadd.s32 $0x10, s26;
	s6 =	sadd.s32 s4, s3;
	s22 =	spop (v2sf)  }
0x97: {  	[tilespmem:s0], [sflag:$0x2] =	stream.linear.gather [hbm4b:s6+s12], $0x80, $0x38;
	[tilespmem:$0x8600] =	vst v63  }
0x98: {  	s3 =	simm.s32 $0x0;
	s14 =	sand.u32 $0x1FFFFFF0, s5;
	s31 =	spop (v2sf)  }
0x99: {  	s23 =	sadd.s32 s15, s14;
	(v2sf) =	vpush v1, $0x8;
	s24 =	sand.u32 $0x1FFFFFF0, s22;
	s6 =	spop (v2sf)  }
0x9a: {  	[tilespmem:s10], [sflag:$0x1] =	stream.linear.gather [hbm4b:s23+s3], $0x80, $0x38;
	[tilespmem:$0x8600] =	vst v63  }
0x9b: {  	(v2sf) =	vpush v2, $0x9;
	s1 =	sadd.s32 s4, s24;
	s5 =	sand.u32 $0x1FFFFFF0, s31;
	s14 =	spop (v2sf)  }
0x9c: {  	(v2sf) =	vpush v1, $0x9;
	[tilespmem:s7], [sflag:$0x2] =	stream.linear.gather [hbm4b:s1+s3], $0x80, $0x38;
	[tilespmem:$0x8600] =	vst v63  }
0x9d: {  	s22 =	rddreg [dreg:$0xd];
	s10 =	sadd.s32 s15, s5;
	s31 =	spop (v2sf)  }
0x9e: {  	[tilespmem:s22], [sflag:$0x1] =	stream.linear.gather [hbm4b:s10+s3], $0x80, $0x38;
	[tilespmem:$0x8600] =	vst v63  }
0x9f: {  	s12 =	sand.u32 $0x1FFFFFF0, s6;
	s24 =	sand.u32 $0x1FFFFFF0, s14;
	s7 =	spop (v2sf)  }
0xa0: {  	(v2sf) =	vpush v2, $0xA;
	s23 =	sadd.s32 s4, s12;
	s5 =	sadd.s32 s15, s24;
	s14 =	spop (v2sf)  }
0xa1: {  	[tilespmem:s17], [sflag:$0x2] =	stream.linear.gather [hbm4b:s23+s3], $0x80, $0x38;
	[tilespmem:$0x8600] =	vst v63  }
0xa2: {  	(v2sf) =	vpush v1, $0xA;
	s6 =	sand.u32 $0x1FFFFFF0, s31;
	s12 =	sand.u32 $0x1FFFFFF0, s7;
	s22 =	spop (v2sf)  }
0xa3: {  	[tilespmem:s18], [sflag:$0x1] =	stream.linear.gather [hbm4b:s5+s3], $0x80, $0x38;
	[tilespmem:$0x8600] =	vst v63  }
0xa4: {  	s10 =	sadd.s32 s4, s6;
	s17 =	sadd.s32 s15, s12;
	s24 =	sand.u32 $0x1FFFFFF0, s22  }
0xa5: {  	[tilespmem:s16], [sflag:$0x2] =	stream.linear.gather [hbm4b:s10+s3], $0x80, $0x38;
	[tilespmem:$0x8600] =	vst v63  }
0xa6: {  	(v2sf) =	vpush v2, $0xB;
	s22 =	rddreg [dreg:$0x7];
	s18 =	sand.u32 $0x1FFFFFF0, s14;
	s5 =	sadd.s32 s15, s24  }
0xa7: {  	[tilespmem:s19], [sflag:$0x1] =	stream.linear.gather [hbm4b:s17+s3], $0x80, $0x38;
	[tilespmem:$0x8600] =	vst v63  }
0xa8: {  	(v2sf) =	vpush v1, $0xB;
	s23 =	sadd.s32 s4, s18;
	s16 =	rddreg [dreg:$0xb];
	s31 =	spop (v2sf)  }
0xa9: {  	(v2sf) =	vpush v2, $0xC;
	[tilespmem:s9], [sflag:$0x2] =	stream.linear.gather [hbm4b:s23+s3], $0x80, $0x38;
	[tilespmem:$0x8600] =	vst v63  }
0xaa: {  	s6 =	sand.u32 $0x1FFFFFF0, s31;
	s7 =	spop (v2sf);
	s9 =	rddreg [dreg:$0xc]  }
0xab: {  	(v2sf) =	vpush v1, $0xC;
	s10 =	sadd.s32 s4, s6;
	s12 =	sand.u32 $0x1FFFFFF0, s7;
	s14 =	spop (v2sf)  }
0xac: {  	[tilespmem:s9], [sflag:$0x1] =	stream.linear.gather [hbm4b:s5+s3], $0x80, $0x38;
	[tilespmem:$0x8600] =	vst v63  }
0xad: {  	s6 =	rddreg [dreg:$0x9];
	s17 =	sadd.s32 s15, s12;
	s18 =	sand.u32 $0x1FFFFFF0, s14  }
0xae: {  	[tilespmem:s16], [sflag:$0x2] =	stream.linear.gather [hbm4b:s10+s3], $0x80, $0x38;
	[tilespmem:$0x8600] =	vst v63  }
0xaf: {  	s12 =	rddreg [dreg:$0x8];
	s19 =	spop (v2sf);
	s23 =	sadd.s32 s4, s18  }
0xb0: {  	[tilespmem:s22], [sflag:$0x1] =	stream.linear.gather [hbm4b:s17+s3], $0x80, $0x38;
	[tilespmem:$0x8600] =	vst v63  }
0xb1: {  	s18 =	rddreg [dreg:$0x5];
	s24 =	sand.u32 $0x1FFFFFF0, s19;
	s31 =	spop (v2sf)  }
0xb2: {  	[tilespmem:s6], [sflag:$0x2] =	stream.linear.gather [hbm4b:s23+s3], $0x80, $0x38;
	[tilespmem:$0x8600] =	vst v63  }
0xb3: {  	s7 =	sadd.s32 s15, s24;
	s24 =	rddreg [dreg:$0xa];
	s9 =	sand.u32 $0x1FFFFFF0, s31  }
0xb4: {  	[tilespmem:s12], [sflag:$0x1] =	stream.linear.gather [hbm4b:s7+s3], $0x80, $0x38;
	[tilespmem:$0x8600] =	vst v63  }
0xb5: {  	s10 =	spop (v2sf);
	s31 =	rddreg [dreg:$0x6];
	s14 =	sadd.s32 s4, s9  }
0xb6: {  	(v2sf) =	vpush v2, $0xD;
	[tilespmem:s18], [sflag:$0x2] =	stream.linear.gather [hbm4b:s14+s3], $0x80, $0x38;
	[tilespmem:$0x8600] =	vst v63  }
.Ltmp0:
0xb7: {  	(v2sf) =	vpush v1, $0xD;
	s16 =	sand.u32 $0x1FFFFFF0, s10;
	s17 =	spop (v2sf);
	(pc) =	sbr.rel @p0 .LBB2_3-.Ltmp0, $4  }
0xb8: {  	(v2sf) =	vpush v2, $0xE;
	s19 =	sadd.s32 s15, s16;
	s22 =	sand.u32 $0x1FFFFFF0, s17;
	s23 =	spop (v2sf)  }
0xb9: {  	(v2sf) =	vpush v1, $0xE;
	[tilespmem:s24], [sflag:$0x1] =	stream.linear.gather [hbm4b:s19+s3], $0x80, $0x38;
	[tilespmem:$0x8600] =	vst v63  }
0xba: {  	(v2sf) =	vpush v2, $0xF;
	s1 =	sadd.s32 s4, s22;
	s0 =	sand.u32 $0x1FFFFFF0, s23;
	s2 =	spop (v2sf)  }
0xbb: {  	(v2sf) =	vpush v1, $0xF;
	[tilespmem:s31], [sflag:$0x2] =	stream.linear.gather [hbm4b:s1+s3], $0x80, $0x38;
	[tilespmem:$0x8600] =	vst v63  }
0xbc: {  	_ =	sdelay $0x4  }
0xbd: {  	s0 =	sadd.s32 s15, s0;
	s1 =	sand.u32 $0x1FFFFFF0, s2  }
0xbe: {  	[tilespmem:s30], [sflag:$0x1] =	stream.linear.gather [hbm4b:s0+s3], $0x80, $0x38;
	[tilespmem:$0x8600] =	vst v63  }
0xbf: {  	s9 =	sadd.s32 s4, s1  }
0xc0: {  	[tilespmem:s28], [sflag:$0x2] =	stream.linear.gather [hbm4b:s9+s3], $0x80, $0x38;
	[tilespmem:$0x8600] =	vst v63  }
0xc1: {  	s7 =	spop (v2sf)  }
0xc2: {  	s10 =	sand.u32 $0x1FFFFFF0, s7;
	s12 =	spop (v2sf)  }
0xc3: {  	s14 =	sadd.s32 s15, s10;
	s16 =	sand.u32 $0x1FFFFFF0, s12;
	s17 =	spop (v2sf)  }
0xc4: {  	[tilespmem:s13], [sflag:$0x1] =	stream.linear.gather [hbm4b:s14+s3], $0x80, $0x38;
	[tilespmem:$0x8600] =	vst v63  }
0xc5: {  	s18 =	sadd.s32 s4, s16;
	s19 =	sand.u32 $0x1FFFFFF0, s17;
	s21 =	spop (v2sf)  }
0xc6: {  	[tilespmem:s11], [sflag:$0x2] =	stream.linear.gather [hbm4b:s18+s3], $0x80, $0x38;
	[tilespmem:$0x8600] =	vst v63  }
0xc7: {  	s22 =	sadd.s32 s15, s19;
	s23 =	sand.u32 $0x1FFFFFF0, s21;
	s24 =	spop (v2sf)  }
0xc8: {  	[tilespmem:s29], [sflag:$0x1] =	stream.linear.gather [hbm4b:s22+s3], $0x80, $0x38;
	[tilespmem:$0x8600] =	vst v63  }
0xc9: {  	s25 =	sadd.s32 s4, s23;
	s26 =	sand.u32 $0x1FFFFFF0, s24;
	s28 =	spop (v2sf)  }
0xca: {  	[tilespmem:s8], [sflag:$0x2] =	stream.linear.gather [hbm4b:s25+s3], $0x80, $0x38;
	[tilespmem:$0x8600] =	vst v63  }
0xcb: {  	s1 =	sadd.s32 s15, s26;
	s2 =	sand.u32 $0x1FFFFFF0, s28;
	s29 =	sadd.s32 $0xB80, s20  }
0xcc: {  	[tilespmem:s29], [sflag:$0x1] =	stream.linear.gather [hbm4b:s1+s3], $0x80, $0x38;
	[tilespmem:$0x8600] =	vst v63  }
0xcd: {  	s30 =	sadd.s32 $0x4B80, s20;
	s31 =	sadd.s32 s4, s2;
	s1 =	simm.s32 $0x1  }
0xce: {  	[tilespmem:s30], [sflag:$0x2] =	stream.linear.gather [hbm4b:s31+s3], $0x80, $0x38;
	[tilespmem:$0x8600] =	vst v63  }
0xcf: {  	_ =	swait.ge [sflag:s1], $0x80  }
0xd0: {  	[sflag:s1] =	ssyncset.done $0x0  }
0xd1: {  	s2 =	simm.s32 $0x2;
	[sflag:s1] =	ssyncadd.s32 $0xFFFFFF80  }
0xd2: {  	_ =	swait.ge [sflag:s2], $0x80  }
0xd3: {  	s0 =	simm.s32 $0x7F;
	[sflag:s2] =	ssyncset.done $0x0  }
.LBB2_5:
0xd4: {  	p0 =	sne.s32 s0, $0x1;
	s0 =	sadd.s32 $0xFFFFFFFF, s0;
	[sflag:s2] =	ssyncadd.s32 $0xFFFFFF80  }
.Ltmp1:
0xd5: {  	_ =	swait.ge [sflag:s1], $0x80;
	(pc) =	sbr.rel @p0 .LBB2_5-.Ltmp1, $4  }
0xd6: {  	[sflag:s1] =	ssyncset.done $0x0  }
0xd7: {  	[sflag:s1] =	ssyncadd.s32 $0xFFFFFF80  }
0xd8: {  	_ =	swait.ge [sflag:s2], $0x80  }
0xd9: {  	[sflag:s2] =	ssyncset.done $0x0  }
0xda: {  	s0 =	simm.s32 $0x0  }
0xdb: {  	v1 =	vmov s0  }
0xdc: {  	v1 =	vshll.u32 v1, $0x7  }
0xdd: {  	v1 =	vor.u32 v0, v1;
	_ =	sdelay $0x1  }
0xde: {  	v2 =	vor.u32 $0x1, v1;
	_ =	sdelay $0x1  }
0xdf: {  	[sflag:s2] =	ssyncadd.s32 $0xFFFFFF80;
	s6 =	simm.s32 $0x4400;
	v3 =	vor.u32 $0x2, v1  }
0xe0: {  	s1 =	simm.s32 $0x400;
	v4 =	vld.idx.msk [tilespmem:v1+s6+$0x0], $0xffff  }
0xe1: {  	v6 =	vor.u32 $0x3, v1;
	v5 =	vld.idx.msk [tilespmem:v1+s1+$0x0], $0xffff  }
0xe2: {  	v7 =	vld.idx.msk [tilespmem:v2+s1+$0x0], $0xffff  }
0xe3: {  	v8 =	vor.u32 $0x4, v1;
	v2 =	vld.idx.msk [tilespmem:v2+s6+$0x0], $0xffff  }
0xe4: {  	v9 =	vld.idx.msk [tilespmem:v3+s1+$0x0], $0xffff  }
0xe5: {  	v10 =	vor.u32 $0x5, v1;
	v3 =	vld.idx.msk [tilespmem:v3+s6+$0x0], $0xffff  }
0xe6: {  	v11 =	vld.idx.msk [tilespmem:v6+s1+$0x0], $0xffff;
	v4 =	vmul.f32 v4, v5  }
0xe7: {  	v5 =	vld.idx.msk [tilespmem:v6+s6+$0x0], $0xffff;
	v6 =	vor.u32 $0x6, v1  }
0xe8: {  	v12 =	vld.idx.msk [tilespmem:v8+s1+$0x0], $0xffff;
	v2 =	vmul.f32 v2, v7;
	v4 =	vadd.f32 $0.0e+00, v4  }
0xe9: {  	v25 =	vor.u32 $0x7, v1;
	v7 =	vld.idx.msk [tilespmem:v8+s6+$0x0], $0xffff  }
0xea: {  	v13 =	vld.idx.msk [tilespmem:v10+s1+$0x0], $0xffff;
	v3 =	vmul.f32 v3, v9;
	v2 =	vadd.f32 v2, v4  }
0xeb: {  	v26 =	vor.u32 $0x8, v1;
	v4 =	vld.idx.msk [tilespmem:v10+s6+$0x0], $0xffff  }
0xec: {  	v27 =	vld.idx.msk [tilespmem:v6+s1+$0x0], $0xffff;
	v2 =	vadd.f32 v3, v2;
	v3 =	vmul.f32 v5, v11  }
0xed: {  	v5 =	vld.idx.msk [tilespmem:v6+s6+$0x0], $0xffff;
	v6 =	vor.u32 $0x9, v1  }
0xee: {  	v28 =	vld.idx.msk [tilespmem:v25+s1+$0x0], $0xffff;
	v2 =	vadd.f32 v3, v2;
	v3 =	vmul.f32 v7, v12  }
0xef: {  	v29 =	vor.u32 $0xA, v1;
	v7 =	vld.idx.msk [tilespmem:v25+s6+$0x0], $0xffff  }
0xf0: {  	v30 =	vld.idx.msk [tilespmem:v26+s1+$0x0], $0xffff;
	v2 =	vadd.f32 v3, v2;
	v3 =	vmul.f32 v4, v13  }
0xf1: {  	v31 =	vor.u32 $0xB, v1;
	v4 =	vld.idx.msk [tilespmem:v26+s6+$0x0], $0xffff  }
0xf2: {  	v32 =	vld.idx.msk [tilespmem:v6+s1+$0x0], $0xffff;
	v2 =	vadd.f32 v3, v2;
	v3 =	vmul.f32 v5, v27  }
0xf3: {  	v5 =	vld.idx.msk [tilespmem:v6+s6+$0x0], $0xffff;
	v6 =	vor.u32 $0xC, v1  }
0xf4: {  	v33 =	vld.idx.msk [tilespmem:v29+s1+$0x0], $0xffff;
	v2 =	vadd.f32 v3, v2;
	v3 =	vmul.f32 v7, v28  }
0xf5: {  	v34 =	vor.u32 $0xD, v1;
	v7 =	vld.idx.msk [tilespmem:v29+s6+$0x0], $0xffff  }
0xf6: {  	v35 =	vld.idx.msk [tilespmem:v31+s1+$0x0], $0xffff;
	v2 =	vadd.f32 v3, v2;
	v3 =	vmul.f32 v4, v30  }
0xf7: {  	v36 =	vor.u32 $0xE, v1;
	v4 =	vld.idx.msk [tilespmem:v31+s6+$0x0], $0xffff  }
0xf8: {  	v37 =	vld.idx.msk [tilespmem:v6+s1+$0x0], $0xffff;
	v2 =	vadd.f32 v3, v2;
	v3 =	vmul.f32 v5, v32  }
0xf9: {  	v5 =	vld.idx.msk [tilespmem:v6+s6+$0x0], $0xffff;
	v6 =	vor.u32 $0xF, v1  }
0xfa: {  	v38 =	vld.idx.msk [tilespmem:v34+s1+$0x0], $0xffff;
	v2 =	vadd.f32 v3, v2;
	v3 =	vmul.f32 v7, v33  }
0xfb: {  	v39 =	vor.u32 $0x10, v1;
	v7 =	vld.idx.msk [tilespmem:v34+s6+$0x0], $0xffff  }
0xfc: {  	v40 =	vld.idx.msk [tilespmem:v36+s1+$0x0], $0xffff;
	v2 =	vadd.f32 v3, v2;
	v3 =	vmul.f32 v4, v35  }
0xfd: {  	v41 =	vor.u32 $0x11, v1;
	v4 =	vld.idx.msk [tilespmem:v36+s6+$0x0], $0xffff  }
0xfe: {  	v42 =	vld.idx.msk [tilespmem:v6+s1+$0x0], $0xffff;
	v2 =	vadd.f32 v3, v2;
	v3 =	vmul.f32 v5, v37  }
0xff: {  	v5 =	vld.idx.msk [tilespmem:v6+s6+$0x0], $0xffff;
	v6 =	vor.u32 $0x12, v1  }
0x100: {  	v43 =	vld.idx.msk [tilespmem:v39+s1+$0x0], $0xffff;
	v2 =	vadd.f32 v3, v2;
	v3 =	vmul.f32 v7, v38  }
0x101: {  	v44 =	vor.u32 $0x13, v1;
	v7 =	vld.idx.msk [tilespmem:v39+s6+$0x0], $0xffff  }
0x102: {  	v45 =	vld.idx.msk [tilespmem:v41+s1+$0x0], $0xffff;
	v2 =	vadd.f32 v3, v2;
	v3 =	vmul.f32 v4, v40  }
0x103: {  	v46 =	vor.u32 $0x14, v1;
	v4 =	vld.idx.msk [tilespmem:v41+s6+$0x0], $0xffff  }
0x104: {  	v47 =	vld.idx.msk [tilespmem:v6+s1+$0x0], $0xffff;
	v2 =	vadd.f32 v3, v2;
	v3 =	vmul.f32 v5, v42  }
0x105: {  	v5 =	vld.idx.msk [tilespmem:v6+s6+$0x0], $0xffff;
	v6 =	vor.u32 $0x15, v1  }
0x106: {  	v48 =	vld.idx.msk [tilespmem:v44+s1+$0x0], $0xffff;
	v2 =	vadd.f32 v3, v2;
	v3 =	vmul.f32 v7, v43  }
0x107: {  	v49 =	vor.u32 $0x16, v1;
	v7 =	vld.idx.msk [tilespmem:v44+s6+$0x0], $0xffff  }
0x108: {  	v50 =	vld.idx.msk [tilespmem:v46+s1+$0x0], $0xffff;
	v2 =	vadd.f32 v3, v2;
	v3 =	vmul.f32 v4, v45  }
0x109: {  	v51 =	vor.u32 $0x17, v1;
	v4 =	vld.idx.msk [tilespmem:v46+s6+$0x0], $0xffff  }
0x10a: {  	v52 =	vld.idx.msk [tilespmem:v6+s1+$0x0], $0xffff;
	v2 =	vadd.f32 v3, v2;
	v3 =	vmul.f32 v5, v47  }
0x10b: {  	v5 =	vld.idx.msk [tilespmem:v6+s6+$0x0], $0xffff;
	v6 =	vor.u32 $0x18, v1  }
0x10c: {  	v53 =	vld.idx.msk [tilespmem:v49+s1+$0x0], $0xffff;
	v2 =	vadd.f32 v3, v2;
	v3 =	vmul.f32 v7, v48  }
0x10d: {  	v54 =	vor.u32 $0x19, v1;
	v7 =	vld.idx.msk [tilespmem:v49+s6+$0x0], $0xffff  }
0x10e: {  	v55 =	vld.idx.msk [tilespmem:v51+s1+$0x0], $0xffff;
	v2 =	vadd.f32 v3, v2;
	v3 =	vmul.f32 v4, v50  }
0x10f: {  	v56 =	vor.u32 $0x1A, v1;
	v4 =	vld.idx.msk [tilespmem:v51+s6+$0x0], $0xffff  }
0x110: {  	v57 =	vld.idx.msk [tilespmem:v6+s1+$0x0], $0xffff;
	v2 =	vadd.f32 v3, v2;
	v3 =	vmul.f32 v5, v52  }
0x111: {  	v5 =	vld.idx.msk [tilespmem:v6+s6+$0x0], $0xffff;
	v6 =	vor.u32 $0x1B, v1  }
0x112: {  	v58 =	vld.idx.msk [tilespmem:v54+s1+$0x0], $0xffff;
	v2 =	vadd.f32 v3, v2;
	v3 =	vmul.f32 v7, v53  }
0x113: {  	v59 =	vor.u32 $0x1C, v1;
	v7 =	vld.idx.msk [tilespmem:v54+s6+$0x0], $0xffff  }
0x114: {  	v60 =	vld.idx.msk [tilespmem:v56+s1+$0x0], $0xffff;
	v2 =	vadd.f32 v3, v2;
	v3 =	vmul.f32 v4, v55  }
0x115: {  	v61 =	vor.u32 $0x1D, v1;
	v4 =	vld.idx.msk [tilespmem:v56+s6+$0x0], $0xffff  }
0x116: {  	v62 =	vld.idx.msk [tilespmem:v6+s1+$0x0], $0xffff;
	v2 =	vadd.f32 v3, v2;
	v3 =	vmul.f32 v5, v57  }
0x117: {  	v5 =	vld.idx.msk [tilespmem:v6+s6+$0x0], $0xffff;
	v6 =	vor.u32 $0x1E, v1  }
0x118: {  	v63 =	vld.idx.msk [tilespmem:v59+s1+$0x0], $0xffff;
	v2 =	vadd.f32 v3, v2;
	v3 =	vmul.f32 v7, v58  }
0x119: {  	v1 =	vor.u32 $0x1F, v1;
	v7 =	vld.idx.msk [tilespmem:v59+s6+$0x0], $0xffff  }
0x11a: {  	v15 =	vld.idx.msk [tilespmem:v61+s1+$0x0], $0xffff;
	v2 =	vadd.f32 v3, v2;
	v3 =	vmul.f32 v4, v60  }
0x11b: {  	v4 =	vld.idx.msk [tilespmem:v61+s6+$0x0], $0xffff  }
0x11c: {  	v16 =	vld.idx.msk [tilespmem:v6+s1+$0x0], $0xffff;
	v2 =	vadd.f32 v3, v2;
	v3 =	vmul.f32 v5, v62  }
0x11d: {  	v5 =	vld.idx.msk [tilespmem:v6+s6+$0x0], $0xffff  }
0x11e: {  	v6 =	vld.idx.msk [tilespmem:v1+s1+$0x0], $0xffff;
	v2 =	vadd.f32 v3, v2;
	v3 =	vmul.f32 v7, v63  }
0x11f: {  	v7 =	vld.idx.msk [tilespmem:v1+s6+$0x0], $0xffff  }
0x120: {  	v1 =	vadd.f32 v3, v2;
	v2 =	vmul.f32 v4, v15  }
0x121: {  	s30 =	simm.s32 $0x10  }
0x122: {  	v3 =	vmov s30;
	v4 =	vmul.f32 v5, v16;
	v2 =	vadd.f32 v2, v1  }
0x123: {  	v1 =	vshll.u32 v3, $0x7  }
0x124: {  	v1 =	vor.u32 v0, v1;
	v3 =	vmul.f32 v7, v6;
	v2 =	vadd.f32 v4, v2;
	_ =	sdelay $0x1  }
0x125: {  	v4 =	vor.u32 $0x1, v1;
	v2 =	vadd.f32 v3, v2  }
0x126: {  	s2 =	rddreg [dreg:$0x14]  }
0x127: {  	v3 =	vor.u32 $0x2, v1;
	[tilespmem:s2+$0x0] =	vst v2  }
0x128: {  	v2 =	vld.idx.msk [tilespmem:v1+s6+$0x0], $0xffff  }
0x129: {  	v6 =	vor.u32 $0x3, v1;
	v5 =	vld.idx.msk [tilespmem:v1+s1+$0x0], $0xffff  }
0x12a: {  	v7 =	vld.idx.msk [tilespmem:v4+s1+$0x0], $0xffff  }
0x12b: {  	v17 =	vor.u32 $0x4, v1;
	v4 =	vld.idx.msk [tilespmem:v4+s6+$0x0], $0xffff  }
0x12c: {  	v18 =	vld.idx.msk [tilespmem:v3+s1+$0x0], $0xffff  }
0x12d: {  	v19 =	vor.u32 $0x5, v1;
	v3 =	vld.idx.msk [tilespmem:v3+s6+$0x0], $0xffff  }
0x12e: {  	v20 =	vld.idx.msk [tilespmem:v6+s1+$0x0], $0xffff;
	v2 =	vmul.f32 v2, v5  }
0x12f: {  	v5 =	vld.idx.msk [tilespmem:v6+s6+$0x0], $0xffff;
	v6 =	vor.u32 $0x6, v1  }
0x130: {  	v21 =	vld.idx.msk [tilespmem:v17+s1+$0x0], $0xffff;
	v4 =	vmul.f32 v4, v7;
	v2 =	vadd.f32 $0.0e+00, v2  }
0x131: {  	v22 =	vor.u32 $0x7, v1;
	v7 =	vld.idx.msk [tilespmem:v17+s6+$0x0], $0xffff  }
0x132: {  	v23 =	vld.idx.msk [tilespmem:v19+s1+$0x0], $0xffff;
	v3 =	vmul.f32 v3, v18;
	v2 =	vadd.f32 v4, v2  }
0x133: {  	v24 =	vor.u32 $0x8, v1;
	v4 =	vld.idx.msk [tilespmem:v19+s6+$0x0], $0xffff  }
0x134: {  	v25 =	vld.idx.msk [tilespmem:v6+s1+$0x0], $0xffff;
	v2 =	vadd.f32 v3, v2;
	v3 =	vmul.f32 v5, v20  }
0x135: {  	v5 =	vld.idx.msk [tilespmem:v6+s6+$0x0], $0xffff;
	v6 =	vor.u32 $0x9, v1  }
0x136: {  	v26 =	vld.idx.msk [tilespmem:v22+s1+$0x0], $0xffff;
	v2 =	vadd.f32 v3, v2;
	v3 =	vmul.f32 v7, v21  }
0x137: {  	v27 =	vor.u32 $0xA, v1;
	v7 =	vld.idx.msk [tilespmem:v22+s6+$0x0], $0xffff  }
0x138: {  	v28 =	vld.idx.msk [tilespmem:v24+s1+$0x0], $0xffff;
	v2 =	vadd.f32 v3, v2;
	v3 =	vmul.f32 v4, v23  }
0x139: {  	v29 =	vor.u32 $0xB, v1;
	v4 =	vld.idx.msk [tilespmem:v24+s6+$0x0], $0xffff  }
0x13a: {  	v30 =	vld.idx.msk [tilespmem:v6+s1+$0x0], $0xffff;
	v2 =	vadd.f32 v3, v2;
	v3 =	vmul.f32 v5, v25  }
0x13b: {  	v5 =	vld.idx.msk [tilespmem:v6+s6+$0x0], $0xffff;
	v6 =	vor.u32 $0xC, v1  }
0x13c: {  	v31 =	vld.idx.msk [tilespmem:v27+s1+$0x0], $0xffff;
	v2 =	vadd.f32 v3, v2;
	v3 =	vmul.f32 v7, v26  }
0x13d: {  	v32 =	vor.u32 $0xD, v1;
	v7 =	vld.idx.msk [tilespmem:v27+s6+$0x0], $0xffff  }
0x13e: {  	v33 =	vld.idx.msk [tilespmem:v29+s1+$0x0], $0xffff;
	v2 =	vadd.f32 v3, v2;
	v3 =	vmul.f32 v4, v28  }
0x13f: {  	v34 =	vor.u32 $0xE, v1;
	v4 =	vld.idx.msk [tilespmem:v29+s6+$0x0], $0xffff  }
0x140: {  	v35 =	vld.idx.msk [tilespmem:v6+s1+$0x0], $0xffff;
	v2 =	vadd.f32 v3, v2;
	v3 =	vmul.f32 v5, v30  }
0x141: {  	v5 =	vld.idx.msk [tilespmem:v6+s6+$0x0], $0xffff;
	v6 =	vor.u32 $0xF, v1  }
0x142: {  	v36 =	vld.idx.msk [tilespmem:v32+s1+$0x0], $0xffff;
	v2 =	vadd.f32 v3, v2;
	v3 =	vmul.f32 v7, v31  }
0x143: {  	v37 =	vor.u32 $0x10, v1;
	v7 =	vld.idx.msk [tilespmem:v32+s6+$0x0], $0xffff  }
0x144: {  	v38 =	vld.idx.msk [tilespmem:v34+s1+$0x0], $0xffff;
	v2 =	vadd.f32 v3, v2;
	v3 =	vmul.f32 v4, v33  }
0x145: {  	v39 =	vor.u32 $0x11, v1;
	v4 =	vld.idx.msk [tilespmem:v34+s6+$0x0], $0xffff  }
0x146: {  	v40 =	vld.idx.msk [tilespmem:v6+s1+$0x0], $0xffff;
	v2 =	vadd.f32 v3, v2;
	v3 =	vmul.f32 v5, v35  }
0x147: {  	v5 =	vld.idx.msk [tilespmem:v6+s6+$0x0], $0xffff;
	v6 =	vor.u32 $0x12, v1  }
0x148: {  	v41 =	vld.idx.msk [tilespmem:v37+s1+$0x0], $0xffff;
	v2 =	vadd.f32 v3, v2;
	v3 =	vmul.f32 v7, v36  }
0x149: {  	v42 =	vor.u32 $0x13, v1;
	v7 =	vld.idx.msk [tilespmem:v37+s6+$0x0], $0xffff  }
0x14a: {  	v43 =	vld.idx.msk [tilespmem:v39+s1+$0x0], $0xffff;
	v2 =	vadd.f32 v3, v2;
	v3 =	vmul.f32 v4, v38  }
0x14b: {  	v44 =	vor.u32 $0x14, v1;
	v4 =	vld.idx.msk [tilespmem:v39+s6+$0x0], $0xffff  }
0x14c: {  	v45 =	vld.idx.msk [tilespmem:v6+s1+$0x0], $0xffff;
	v2 =	vadd.f32 v3, v2;
	v3 =	vmul.f32 v5, v40  }
0x14d: {  	v5 =	vld.idx.msk [tilespmem:v6+s6+$0x0], $0xffff;
	v6 =	vor.u32 $0x15, v1  }
0x14e: {  	v46 =	vld.idx.msk [tilespmem:v42+s1+$0x0], $0xffff;
	v2 =	vadd.f32 v3, v2;
	v3 =	vmul.f32 v7, v41  }
0x14f: {  	v47 =	vor.u32 $0x16, v1;
	v7 =	vld.idx.msk [tilespmem:v42+s6+$0x0], $0xffff  }
0x150: {  	v48 =	vld.idx.msk [tilespmem:v44+s1+$0x0], $0xffff;
	v2 =	vadd.f32 v3, v2;
	v3 =	vmul.f32 v4, v43  }
0x151: {  	v49 =	vor.u32 $0x17, v1;
	v4 =	vld.idx.msk [tilespmem:v44+s6+$0x0], $0xffff  }
0x152: {  	v50 =	vld.idx.msk [tilespmem:v6+s1+$0x0], $0xffff;
	v2 =	vadd.f32 v3, v2;
	v3 =	vmul.f32 v5, v45  }
0x153: {  	v5 =	vld.idx.msk [tilespmem:v6+s6+$0x0], $0xffff;
	v6 =	vor.u32 $0x18, v1  }
0x154: {  	v51 =	vld.idx.msk [tilespmem:v47+s1+$0x0], $0xffff;
	v2 =	vadd.f32 v3, v2;
	v3 =	vmul.f32 v7, v46  }
0x155: {  	v52 =	vor.u32 $0x19, v1;
	v7 =	vld.idx.msk [tilespmem:v47+s6+$0x0], $0xffff  }
0x156: {  	v53 =	vld.idx.msk [tilespmem:v49+s1+$0x0], $0xffff;
	v2 =	vadd.f32 v3, v2;
	v3 =	vmul.f32 v4, v48  }
0x157: {  	v54 =	vor.u32 $0x1A, v1;
	v4 =	vld.idx.msk [tilespmem:v49+s6+$0x0], $0xffff  }
0x158: {  	v55 =	vld.idx.msk [tilespmem:v6+s1+$0x0], $0xffff;
	v2 =	vadd.f32 v3, v2;
	v3 =	vmul.f32 v5, v50  }
0x159: {  	v5 =	vld.idx.msk [tilespmem:v6+s6+$0x0], $0xffff;
	v6 =	vor.u32 $0x1B, v1  }
0x15a: {  	v56 =	vld.idx.msk [tilespmem:v52+s1+$0x0], $0xffff;
	v2 =	vadd.f32 v3, v2;
	v3 =	vmul.f32 v7, v51  }
0x15b: {  	v57 =	vor.u32 $0x1C, v1;
	v7 =	vld.idx.msk [tilespmem:v52+s6+$0x0], $0xffff  }
0x15c: {  	v58 =	vld.idx.msk [tilespmem:v54+s1+$0x0], $0xffff;
	v2 =	vadd.f32 v3, v2;
	v3 =	vmul.f32 v4, v53  }
0x15d: {  	v4 =	vld.idx.msk [tilespmem:v54+s6+$0x0], $0xffff  }
0x15e: {  	v60 =	vld.idx.msk [tilespmem:v6+s1+$0x0], $0xffff;
	v2 =	vadd.f32 v3, v2;
	v3 =	vmul.f32 v5, v55  }
0x15f: {  	v59 =	vor.u32 $0x1D, v1;
	v5 =	vld.idx.msk [tilespmem:v6+s6+$0x0], $0xffff  }
0x160: {  	v61 =	vld.idx.msk [tilespmem:v57+s1+$0x0], $0xffff;
	v2 =	vadd.f32 v3, v2;
	v3 =	vmul.f32 v7, v56  }
0x161: {  	v6 =	vor.u32 $0x1E, v1;
	v7 =	vld.idx.msk [tilespmem:v57+s6+$0x0], $0xffff  }
0x162: {  	v2 =	vadd.f32 v3, v2;
	v3 =	vmul.f32 v4, v58  }
0x163: {  	v1 =	vor.u32 $0x1F, v1  }
0x164: {  	v62 =	vld.idx.msk [tilespmem:v59+s1+$0x0], $0xffff;
	v2 =	vadd.f32 v3, v2;
	v3 =	vmul.f32 v5, v60  }
0x165: {  	v4 =	vld.idx.msk [tilespmem:v59+s6+$0x0], $0xffff  }
0x166: {  	v63 =	vld.idx.msk [tilespmem:v6+s1+$0x0], $0xffff;
	v2 =	vadd.f32 v3, v2;
	v3 =	vmul.f32 v7, v61  }
0x167: {  	v5 =	vld.idx.msk [tilespmem:v6+s6+$0x0], $0xffff  }
0x168: {  	v6 =	vadd.f32 v3, v2;
	v2 =	vld.idx.msk [tilespmem:v1+s1+$0x0], $0xffff  }
0x169: {  	v3 =	vld.idx.msk [tilespmem:v1+s6+$0x0], $0xffff  }
0x16a: {  	v4 =	vmul.f32 v4, v62  }
0x16b: {  	s31 =	simm.s32 $0x20  }
0x16c: {  	s12 =	rddreg [dreg:$0x13];
	v7 =	vmov s31;
	v5 =	vmul.f32 v5, v63;
	v4 =	vadd.f32 v4, v6  }
0x16d: {  	s21 =	simm.s32 $0x30;
	s5 =	rddreg [dreg:$0x16];
	s20 =	smov.u32 s2;
	v1 =	vshll.u32 v7, $0x7  }
.LBB2_7:
0x16e: {  	p0 =	sne.s32 s21, $0x70;
	v1 =	vor.u32 v0, v1;
	v4 =	vadd.f32 v5, v4;
	v2 =	vmul.f32 v3, v2;
	_ =	sdelay $0x1  }
0x16f: {  	v3 =	vor.u32 $0x1, v1;
	v2 =	vadd.f32 v2, v4  }
0x170: {  	s20 =	sadd.s32 $0x10, s20  }
0x171: {  	v4 =	vor.u32 $0x2, v1;
	[tilespmem:s20+$0x0] =	vst v2  }
0x172: {  	v2 =	vld.idx.msk [tilespmem:v1+s6+$0x0], $0xffff  }
0x173: {  	v6 =	vor.u32 $0x3, v1;
	v5 =	vld.idx.msk [tilespmem:v1+s1+$0x0], $0xffff  }
0x174: {  	v7 =	vld.idx.msk [tilespmem:v3+s1+$0x0], $0xffff  }
0x175: {  	v8 =	vor.u32 $0x4, v1;
	v3 =	vld.idx.msk [tilespmem:v3+s6+$0x0], $0xffff  }
0x176: {  	v9 =	vld.idx.msk [tilespmem:v4+s1+$0x0], $0xffff  }
0x177: {  	v10 =	vor.u32 $0x5, v1;
	v4 =	vld.idx.msk [tilespmem:v4+s6+$0x0], $0xffff  }
0x178: {  	v11 =	vld.idx.msk [tilespmem:v6+s1+$0x0], $0xffff  }
0x179: {  	v2 =	vmul.f32 v2, v5;
	v5 =	vld.idx.msk [tilespmem:v6+s6+$0x0], $0xffff;
	v6 =	vor.u32 $0x6, v1  }
0x17a: {  	v12 =	vld.idx.msk [tilespmem:v8+s1+$0x0], $0xffff  }
0x17b: {  	v2 =	vadd.f32 $0.0e+00, v2;
	v3 =	vmul.f32 v3, v7;
	v7 =	vld.idx.msk [tilespmem:v8+s6+$0x0], $0xffff;
	v8 =	vor.u32 $0x7, v1  }
0x17c: {  	v13 =	vld.idx.msk [tilespmem:v10+s1+$0x0], $0xffff  }
0x17d: {  	v2 =	vadd.f32 v3, v2;
	v3 =	vmul.f32 v4, v9;
	v9 =	vor.u32 $0x8, v1;
	v4 =	vld.idx.msk [tilespmem:v10+s6+$0x0], $0xffff  }
0x17e: {  	v10 =	vld.idx.msk [tilespmem:v6+s1+$0x0], $0xffff  }
0x17f: {  	v2 =	vadd.f32 v3, v2;
	v3 =	vmul.f32 v5, v11;
	v5 =	vld.idx.msk [tilespmem:v6+s6+$0x0], $0xffff;
	v6 =	vor.u32 $0x9, v1  }
0x180: {  	v11 =	vld.idx.msk [tilespmem:v8+s1+$0x0], $0xffff  }
0x181: {  	v2 =	vadd.f32 v3, v2;
	v3 =	vmul.f32 v7, v12;
	v7 =	vld.idx.msk [tilespmem:v8+s6+$0x0], $0xffff;
	v8 =	vor.u32 $0xA, v1  }
0x182: {  	v12 =	vld.idx.msk [tilespmem:v9+s1+$0x0], $0xffff  }
0x183: {  	v2 =	vadd.f32 v3, v2;
	v3 =	vmul.f32 v4, v13;
	v4 =	vld.idx.msk [tilespmem:v9+s6+$0x0], $0xffff;
	v9 =	vor.u32 $0xB, v1  }
0x184: {  	v13 =	vld.idx.msk [tilespmem:v6+s1+$0x0], $0xffff  }
0x185: {  	v2 =	vadd.f32 v3, v2;
	v3 =	vmul.f32 v5, v10;
	v5 =	vld.idx.msk [tilespmem:v6+s6+$0x0], $0xffff;
	v6 =	vor.u32 $0xC, v1  }
0x186: {  	v10 =	vld.idx.msk [tilespmem:v8+s1+$0x0], $0xffff  }
0x187: {  	v2 =	vadd.f32 v3, v2;
	v3 =	vmul.f32 v7, v11;
	v7 =	vld.idx.msk [tilespmem:v8+s6+$0x0], $0xffff;
	v8 =	vor.u32 $0xD, v1  }
0x188: {  	v11 =	vld.idx.msk [tilespmem:v9+s1+$0x0], $0xffff  }
0x189: {  	v2 =	vadd.f32 v3, v2;
	v3 =	vmul.f32 v4, v12;
	v4 =	vld.idx.msk [tilespmem:v9+s6+$0x0], $0xffff;
	v9 =	vor.u32 $0xE, v1  }
0x18a: {  	v12 =	vld.idx.msk [tilespmem:v6+s1+$0x0], $0xffff  }
0x18b: {  	v2 =	vadd.f32 v3, v2;
	v3 =	vmul.f32 v5, v13;
	v5 =	vld.idx.msk [tilespmem:v6+s6+$0x0], $0xffff;
	v6 =	vor.u32 $0xF, v1  }
0x18c: {  	v13 =	vld.idx.msk [tilespmem:v8+s1+$0x0], $0xffff  }
0x18d: {  	v2 =	vadd.f32 v3, v2;
	v3 =	vmul.f32 v7, v10;
	v7 =	vld.idx.msk [tilespmem:v8+s6+$0x0], $0xffff;
	v8 =	vor.u32 $0x10, v1  }
0x18e: {  	v10 =	vld.idx.msk [tilespmem:v9+s1+$0x0], $0xffff  }
0x18f: {  	v2 =	vadd.f32 v3, v2;
	v3 =	vmul.f32 v4, v11;
	v4 =	vld.idx.msk [tilespmem:v9+s6+$0x0], $0xffff;
	v9 =	vor.u32 $0x11, v1  }
0x190: {  	v11 =	vld.idx.msk [tilespmem:v6+s1+$0x0], $0xffff  }
0x191: {  	v2 =	vadd.f32 v3, v2;
	v3 =	vmul.f32 v5, v12;
	v5 =	vld.idx.msk [tilespmem:v6+s6+$0x0], $0xffff;
	v6 =	vor.u32 $0x12, v1  }
0x192: {  	v12 =	vld.idx.msk [tilespmem:v8+s1+$0x0], $0xffff  }
0x193: {  	v2 =	vadd.f32 v3, v2;
	v3 =	vmul.f32 v7, v13;
	v7 =	vld.idx.msk [tilespmem:v8+s6+$0x0], $0xffff;
	v8 =	vor.u32 $0x13, v1  }
0x194: {  	v13 =	vld.idx.msk [tilespmem:v9+s1+$0x0], $0xffff  }
0x195: {  	v2 =	vadd.f32 v3, v2;
	v3 =	vmul.f32 v4, v10;
	v4 =	vld.idx.msk [tilespmem:v9+s6+$0x0], $0xffff;
	v9 =	vor.u32 $0x14, v1  }
0x196: {  	v10 =	vld.idx.msk [tilespmem:v6+s1+$0x0], $0xffff  }
0x197: {  	v2 =	vadd.f32 v3, v2;
	v3 =	vmul.f32 v5, v11;
	v5 =	vld.idx.msk [tilespmem:v6+s6+$0x0], $0xffff;
	v6 =	vor.u32 $0x15, v1  }
0x198: {  	v11 =	vld.idx.msk [tilespmem:v8+s1+$0x0], $0xffff  }
0x199: {  	v2 =	vadd.f32 v3, v2;
	v3 =	vmul.f32 v7, v12;
	v7 =	vld.idx.msk [tilespmem:v8+s6+$0x0], $0xffff;
	v8 =	vor.u32 $0x16, v1  }
0x19a: {  	v12 =	vld.idx.msk [tilespmem:v9+s1+$0x0], $0xffff  }
0x19b: {  	v2 =	vadd.f32 v3, v2;
	v3 =	vmul.f32 v4, v13;
	v4 =	vld.idx.msk [tilespmem:v9+s6+$0x0], $0xffff;
	v9 =	vor.u32 $0x17, v1  }
0x19c: {  	v13 =	vld.idx.msk [tilespmem:v6+s1+$0x0], $0xffff  }
0x19d: {  	v2 =	vadd.f32 v3, v2;
	v3 =	vmul.f32 v5, v10;
	v5 =	vld.idx.msk [tilespmem:v6+s6+$0x0], $0xffff;
	v6 =	vor.u32 $0x18, v1  }
0x19e: {  	v10 =	vld.idx.msk [tilespmem:v8+s1+$0x0], $0xffff  }
0x19f: {  	v2 =	vadd.f32 v3, v2;
	v3 =	vmul.f32 v7, v11;
	v7 =	vld.idx.msk [tilespmem:v8+s6+$0x0], $0xffff;
	v8 =	vor.u32 $0x19, v1  }
0x1a0: {  	v11 =	vld.idx.msk [tilespmem:v9+s1+$0x0], $0xffff  }
0x1a1: {  	v2 =	vadd.f32 v3, v2;
	v3 =	vmul.f32 v4, v12;
	v4 =	vld.idx.msk [tilespmem:v9+s6+$0x0], $0xffff;
	v9 =	vor.u32 $0x1A, v1  }
0x1a2: {  	v12 =	vld.idx.msk [tilespmem:v6+s1+$0x0], $0xffff  }
0x1a3: {  	v2 =	vadd.f32 v3, v2;
	v3 =	vmul.f32 v5, v13;
	v5 =	vld.idx.msk [tilespmem:v6+s6+$0x0], $0xffff;
	v6 =	vor.u32 $0x1B, v1  }
0x1a4: {  	v13 =	vld.idx.msk [tilespmem:v8+s1+$0x0], $0xffff  }
0x1a5: {  	v2 =	vadd.f32 v3, v2;
	v3 =	vmul.f32 v7, v10;
	v7 =	vld.idx.msk [tilespmem:v8+s6+$0x0], $0xffff;
	v8 =	vor.u32 $0x1C, v1  }
0x1a6: {  	v10 =	vld.idx.msk [tilespmem:v9+s1+$0x0], $0xffff  }
0x1a7: {  	v2 =	vadd.f32 v3, v2;
	v3 =	vmul.f32 v4, v11;
	v4 =	vld.idx.msk [tilespmem:v9+s6+$0x0], $0xffff;
	v9 =	vor.u32 $0x1D, v1  }
0x1a8: {  	v11 =	vld.idx.msk [tilespmem:v6+s1+$0x0], $0xffff  }
0x1a9: {  	v2 =	vadd.f32 v3, v2;
	v3 =	vmul.f32 v5, v12;
	v5 =	vld.idx.msk [tilespmem:v6+s6+$0x0], $0xffff;
	v6 =	vor.u32 $0x1E, v1  }
0x1aa: {  	v12 =	vld.idx.msk [tilespmem:v8+s1+$0x0], $0xffff  }
0x1ab: {  	v1 =	vor.u32 $0x1F, v1;
	v2 =	vadd.f32 v3, v2;
	v3 =	vmul.f32 v7, v13;
	v7 =	vld.idx.msk [tilespmem:v8+s6+$0x0], $0xffff  }
0x1ac: {  	v8 =	vld.idx.msk [tilespmem:v9+s1+$0x0], $0xffff  }
0x1ad: {  	v2 =	vadd.f32 v3, v2;
	v3 =	vmul.f32 v4, v10;
	v4 =	vld.idx.msk [tilespmem:v9+s6+$0x0], $0xffff  }
0x1ae: {  	v9 =	vld.idx.msk [tilespmem:v6+s1+$0x0], $0xffff  }
0x1af: {  	v3 =	vadd.f32 v3, v2;
	v5 =	vmul.f32 v5, v11;
	v6 =	vld.idx.msk [tilespmem:v6+s6+$0x0], $0xffff  }
0x1b0: {  	v2 =	vld.idx.msk [tilespmem:v1+s1+$0x0], $0xffff  }
0x1b1: {  	v5 =	vadd.f32 v5, v3;
	v7 =	vmul.f32 v7, v12;
	v3 =	vld.idx.msk [tilespmem:v1+s6+$0x0], $0xffff  }
.Ltmp2:
0x1b2: {  	(pc) =	sbr.rel @p0 .LBB2_7-.Ltmp2, $3  }
0x1b3: {  	v1 =	vadd.f32 v7, v5;
	v4 =	vmul.f32 v4, v8;
	_ =	sdelay $0x1  }
0x1b4: {  	v7 =	vmov s21;
	v4 =	vadd.f32 v4, v1;
	v5 =	vmul.f32 v6, v9  }
0x1b5: {  	s21 =	sadd.s32 $0x10, s21;
	v1 =	vshll.u32 v7, $0x7  }
0x1b6: {  	v1 =	vor.u32 v0, v1;
	v4 =	vadd.f32 v5, v4;
	v2 =	vmul.f32 v3, v2;
	_ =	sdelay $0x1  }
0x1b7: {  	v3 =	vor.u32 $0x1, v1;
	v2 =	vadd.f32 v2, v4  }
0x1b8: {  	s0 =	sadd.s32 $0x10, s20  }
0x1b9: {  	v31 =	vor.u32 $0x2, v1;
	[tilespmem:s0+$0x0] =	vst v2  }
0x1ba: {  	v2 =	vld.idx.msk [tilespmem:v1+s6+$0x0], $0xffff  }
0x1bb: {  	v6 =	vor.u32 $0x3, v1;
	v32 =	vld.idx.msk [tilespmem:v1+s1+$0x0], $0xffff  }
0x1bc: {  	v7 =	vld.idx.msk [tilespmem:v3+s1+$0x0], $0xffff  }
0x1bd: {  	v8 =	vor.u32 $0x4, v1;
	v3 =	vld.idx.msk [tilespmem:v3+s6+$0x0], $0xffff  }
0x1be: {  	v9 =	vld.idx.msk [tilespmem:v31+s1+$0x0], $0xffff  }
0x1bf: {  	v10 =	vor.u32 $0x5, v1;
	v4 =	vld.idx.msk [tilespmem:v31+s6+$0x0], $0xffff  }
0x1c0: {  	v11 =	vld.idx.msk [tilespmem:v6+s1+$0x0], $0xffff;
	v2 =	vmul.f32 v2, v32  }
0x1c1: {  	v34 =	vor.u32 $0x6, v1;
	v33 =	vld.idx.msk [tilespmem:v6+s6+$0x0], $0xffff  }
0x1c2: {  	v12 =	vld.idx.msk [tilespmem:v8+s1+$0x0], $0xffff;
	v3 =	vmul.f32 v3, v7;
	v2 =	vadd.f32 $0.0e+00, v2  }
0x1c3: {  	v36 =	vor.u32 $0x7, v1;
	v35 =	vld.idx.msk [tilespmem:v8+s6+$0x0], $0xffff  }
0x1c4: {  	v13 =	vld.idx.msk [tilespmem:v10+s1+$0x0], $0xffff;
	v2 =	vadd.f32 v3, v2;
	v3 =	vmul.f32 v4, v9  }
0x1c5: {  	v38 =	vor.u32 $0x8, v1;
	v37 =	vld.idx.msk [tilespmem:v10+s6+$0x0], $0xffff  }
0x1c6: {  	v39 =	vld.idx.msk [tilespmem:v34+s1+$0x0], $0xffff;
	v2 =	vadd.f32 v3, v2;
	v3 =	vmul.f32 v33, v11  }
0x1c7: {  	v41 =	vor.u32 $0x9, v1;
	v40 =	vld.idx.msk [tilespmem:v34+s6+$0x0], $0xffff  }
0x1c8: {  	v42 =	vld.idx.msk [tilespmem:v36+s1+$0x0], $0xffff;
	v2 =	vadd.f32 v3, v2;
	v3 =	vmul.f32 v35, v12  }
0x1c9: {  	v44 =	vor.u32 $0xA, v1;
	v43 =	vld.idx.msk [tilespmem:v36+s6+$0x0], $0xffff  }
0x1ca: {  	v45 =	vld.idx.msk [tilespmem:v38+s1+$0x0], $0xffff;
	v2 =	vadd.f32 v3, v2;
	v3 =	vmul.f32 v37, v13  }
0x1cb: {  	v47 =	vor.u32 $0xB, v1;
	v46 =	vld.idx.msk [tilespmem:v38+s6+$0x0], $0xffff  }
0x1cc: {  	v48 =	vld.idx.msk [tilespmem:v41+s1+$0x0], $0xffff;
	v2 =	vadd.f32 v3, v2;
	v3 =	vmul.f32 v40, v39  }
0x1cd: {  	v50 =	vor.u32 $0xC, v1;
	v49 =	vld.idx.msk [tilespmem:v41+s6+$0x0], $0xffff  }
0x1ce: {  	v51 =	vld.idx.msk [tilespmem:v44+s1+$0x0], $0xffff;
	v2 =	vadd.f32 v3, v2;
	v3 =	vmul.f32 v43, v42  }
0x1cf: {  	v53 =	vor.u32 $0xD, v1;
	v52 =	vld.idx.msk [tilespmem:v44+s6+$0x0], $0xffff  }
0x1d0: {  	v54 =	vld.idx.msk [tilespmem:v47+s1+$0x0], $0xffff;
	v2 =	vadd.f32 v3, v2;
	v3 =	vmul.f32 v46, v45  }
0x1d1: {  	v56 =	vor.u32 $0xE, v1;
	v55 =	vld.idx.msk [tilespmem:v47+s6+$0x0], $0xffff  }
0x1d2: {  	v57 =	vld.idx.msk [tilespmem:v50+s1+$0x0], $0xffff;
	v2 =	vadd.f32 v3, v2;
	v3 =	vmul.f32 v49, v48  }
0x1d3: {  	v59 =	vor.u32 $0xF, v1;
	v58 =	vld.idx.msk [tilespmem:v50+s6+$0x0], $0xffff  }
0x1d4: {  	v60 =	vld.idx.msk [tilespmem:v53+s1+$0x0], $0xffff;
	v2 =	vadd.f32 v3, v2;
	v3 =	vmul.f32 v52, v51  }
0x1d5: {  	v62 =	vor.u32 $0x10, v1;
	v61 =	vld.idx.msk [tilespmem:v53+s6+$0x0], $0xffff  }
0x1d6: {  	v63 =	vld.idx.msk [tilespmem:v56+s1+$0x0], $0xffff;
	v2 =	vadd.f32 v3, v2;
	v3 =	vmul.f32 v55, v54  }
0x1d7: {  	v17 =	vor.u32 $0x11, v1;
	v16 =	vld.idx.msk [tilespmem:v56+s6+$0x0], $0xffff  }
0x1d8: {  	v18 =	vld.idx.msk [tilespmem:v59+s1+$0x0], $0xffff;
	v2 =	vadd.f32 v3, v2;
	v3 =	vmul.f32 v58, v57  }
0x1d9: {  	v20 =	vor.u32 $0x12, v1;
	v19 =	vld.idx.msk [tilespmem:v59+s6+$0x0], $0xffff  }
0x1da: {  	v21 =	vld.idx.msk [tilespmem:v62+s1+$0x0], $0xffff;
	v2 =	vadd.f32 v3, v2;
	v3 =	vmul.f32 v61, v60  }
0x1db: {  	v23 =	vor.u32 $0x13, v1;
	v22 =	vld.idx.msk [tilespmem:v62+s6+$0x0], $0xffff  }
0x1dc: {  	v24 =	vld.idx.msk [tilespmem:v17+s1+$0x0], $0xffff;
	v2 =	vadd.f32 v3, v2;
	v3 =	vmul.f32 v16, v63  }
0x1dd: {  	v26 =	vor.u32 $0x14, v1;
	v25 =	vld.idx.msk [tilespmem:v17+s6+$0x0], $0xffff  }
0x1de: {  	v27 =	vld.idx.msk [tilespmem:v20+s1+$0x0], $0xffff;
	v2 =	vadd.f32 v3, v2;
	v3 =	vmul.f32 v19, v18  }
0x1df: {  	v29 =	vor.u32 $0x15, v1;
	v28 =	vld.idx.msk [tilespmem:v20+s6+$0x0], $0xffff  }
0x1e0: {  	v30 =	vld.idx.msk [tilespmem:v23+s1+$0x0], $0xffff;
	v2 =	vadd.f32 v3, v2;
	v3 =	vmul.f32 v22, v21  }
0x1e1: {  	v31 =	vld.idx.msk [tilespmem:v23+s6+$0x0], $0xffff;
	v32 =	vor.u32 $0x16, v1  }
0x1e2: {  	v34 =	vld.idx.msk [tilespmem:v26+s6+$0x0], $0xffff;
	v2 =	vadd.f32 v3, v2;
	v3 =	vmul.f32 v25, v24  }
0x1e3: {  	v33 =	vld.idx.msk [tilespmem:v26+s1+$0x0], $0xffff;
	v35 =	vor.u32 $0x17, v1  }
0x1e4: {  	v36 =	vld.idx.msk [tilespmem:v29+s1+$0x0], $0xffff;
	v2 =	vadd.f32 v3, v2;
	v3 =	vmul.f32 v28, v27  }
0x1e5: {  	v38 =	vor.u32 $0x18, v1;
	v37 =	vld.idx.msk [tilespmem:v29+s6+$0x0], $0xffff  }
0x1e6: {  	v39 =	vld.idx.msk [tilespmem:v32+s1+$0x0], $0xffff;
	v2 =	vadd.f32 v3, v2;
	v3 =	vmul.f32 v31, v30  }
0x1e7: {  	v41 =	vor.u32 $0x19, v1;
	v40 =	vld.idx.msk [tilespmem:v32+s6+$0x0], $0xffff  }
0x1e8: {  	v42 =	vld.idx.msk [tilespmem:v35+s1+$0x0], $0xffff;
	v2 =	vadd.f32 v3, v2;
	v3 =	vmul.f32 v34, v33  }
0x1e9: {  	v44 =	vor.u32 $0x1A, v1;
	v43 =	vld.idx.msk [tilespmem:v35+s6+$0x0], $0xffff  }
0x1ea: {  	v45 =	vld.idx.msk [tilespmem:v38+s1+$0x0], $0xffff;
	v2 =	vadd.f32 v3, v2;
	v3 =	vmul.f32 v37, v36  }
0x1eb: {  	v47 =	vor.u32 $0x1B, v1;
	v46 =	vld.idx.msk [tilespmem:v38+s6+$0x0], $0xffff  }
0x1ec: {  	v48 =	vld.idx.msk [tilespmem:v41+s1+$0x0], $0xffff;
	v2 =	vadd.f32 v3, v2;
	v3 =	vmul.f32 v40, v39  }
0x1ed: {  	v50 =	vor.u32 $0x1C, v1;
	v49 =	vld.idx.msk [tilespmem:v41+s6+$0x0], $0xffff  }
0x1ee: {  	v51 =	vld.idx.msk [tilespmem:v44+s1+$0x0], $0xffff;
	v2 =	vadd.f32 v3, v2;
	v3 =	vmul.f32 v43, v42  }
0x1ef: {  	v53 =	vor.u32 $0x1D, v1;
	v52 =	vld.idx.msk [tilespmem:v44+s6+$0x0], $0xffff  }
0x1f0: {  	v54 =	vld.idx.msk [tilespmem:v47+s1+$0x0], $0xffff;
	v2 =	vadd.f32 v3, v2;
	v3 =	vmul.f32 v46, v45  }
0x1f1: {  	v56 =	vor.u32 $0x1E, v1;
	v55 =	vld.idx.msk [tilespmem:v47+s6+$0x0], $0xffff  }
0x1f2: {  	v57 =	vld.idx.msk [tilespmem:v50+s1+$0x0], $0xffff;
	v2 =	vadd.f32 v3, v2;
	v3 =	vmul.f32 v49, v48  }
0x1f3: {  	v1 =	vor.u32 $0x1F, v1;
	v58 =	vld.idx.msk [tilespmem:v50+s6+$0x0], $0xffff  }
0x1f4: {  	v59 =	vld.idx.msk [tilespmem:v53+s1+$0x0], $0xffff;
	v2 =	vadd.f32 v3, v2;
	v3 =	vmul.f32 v52, v51  }
0x1f5: {  	v60 =	vld.idx.msk [tilespmem:v53+s6+$0x0], $0xffff  }
0x1f6: {  	v62 =	vld.idx.msk [tilespmem:v56+s6+$0x0], $0xffff;
	v2 =	vadd.f32 v3, v2;
	v3 =	vmul.f32 v55, v54  }
0x1f7: {  	v61 =	vld.idx.msk [tilespmem:v56+s1+$0x0], $0xffff  }
0x1f8: {  	v63 =	vld.idx.msk [tilespmem:v1+s1+$0x0], $0xffff;
	v2 =	vadd.f32 v3, v2;
	v3 =	vmul.f32 v58, v57  }
0x1f9: {  	v1 =	vld.idx.msk [tilespmem:v1+s6+$0x0], $0xffff  }
0x1fa: {  	v2 =	vadd.f32 v3, v2;
	v3 =	vmul.f32 v60, v59;
	_ =	sdelay $0x1  }
0x1fb: {  	s5 =	sadd.s32 $0x1, s5;
	v2 =	vadd.f32 v3, v2;
	v3 =	vmul.f32 v62, v61  }
0x1fc: {  	p0 =	sne.s32 s5, $0x4  }
.Ltmp3:
0x1fd: {  	v1 =	vmul.f32 v1, v63;
	v2 =	vadd.f32 v3, v2;
	(pc) =	sbr.rel @p0 .LBB2_2-.Ltmp3, $4  }
0x1fe: {  	_ = 	snop  }
0x1ff: {  	v1 =	vadd.f32 v1, v2  }
0x200: {  	s31 =	rddreg [dreg:$0x15];
	s0 =	sadd.s32 $0x10, s0  }
0x201: {  	s12 =	sadd.s32 $0x80, s12;
	s2 =	sadd.s32 $0x80, s2;
	s1 =	sadd.s32 $0x80, s31;
	[tilespmem:s0+$0x0] =	vst v1  }
0x202: {  	s0 =	rddreg [dreg:$0x10];
	s1 =	simm.s32 $0x8400  }
0x203: {  	[hbm4b:s0+s3] =	stream.linear.scatter [tilespmem:s1], [sflag:$0x3], $0x200, $0x38;
	[tilespmem:$0x8600] =	vst v63  }
0x204: {  	s1 =	simm.s32 $0x3  }
0x205: {  	_ =	swait.ge [sflag:s1], $0x200  }
0x206: {  	s2 =	rddreg [dreg:$0x12]  }
0x207: {  	s31 =	rddreg [dreg:$0x11];
	s2 =	sadd.s32 $0x1, s2  }
0x208: {  	p0 =	sne.s32 s2, s31  }
.Ltmp4:
0x209: {  	_ = 	snop;
	(pc) =	sbr.rel @p0 .LBB2_1-.Ltmp4, $3  }
0x20a: {  	_ =	sdelay $0x1  }
0x20b: {  	[sflag:s1] =	ssyncset.done $0x0  }
0x20c: {  	[sflag:s1] =	ssyncadd.s32 $0xFFFFFE00  }
0x20d: {  	_ =	sfence.sel $0x180000  }
0x20e: {  	[bflag:$0x0] =	sbarrier.arrive $0xFFFF  }
0x20f: {  	_ =	strace $0x90000047  }
0x210: {  	s0 =	stileid.u32;
	[bflag:$0x2] =	sbarrier.arrive $0xFFFF  }
0x211: {  	p0 =	sne.s32 s0, $0x0;
	s0 =	rddreg [dreg:$0x4]  }
0x212: {  	s0 =	sadd.s32 @!p0 $0x100000, s0  }
0x213: {  	[sflag:s0] =	ssyncadd.tile.s32 @!p0 $0x1;
	_ =	shalt  }
.Lfunc_end2:
_tile_overlayer_lowered:
.L_overlay_start_2:
0x214: {  	(tag) =	ssettag $0x2  }
0x215: {  	s0 =	rddreg [dreg:$0x0];
	s2 =	stileid.u32  }
0x216: {  	s1 =	rddreg [dreg:$0x1];
	p0 =	sne.s32 s2, $0x0  }
0x217: {  	s3 =	rddreg [dreg:$0x2];
	[bflag:$0x3] =	sbarrier.arrive $0xFFFF;
	s2 =	simm.s32 @!p0 $0x1C03  }
0x218: {  	[timem:s3], [sflag:s2] =	dma.local @!p0 [hbm:s0], s1  }
0x219: {  	s0 =	simm.s32 @!p0 $0x3  }
0x21a: {  	_ =	swait.ge @!p0 [sflag:s0], s1  }
0x21b: {  	s1 =	ssub.s32 @!p0 $0x0, s1;
	[sflag:s0] =	ssyncset.done @!p0 $0x0  }
0x21c: {  	[sflag:s0] =	ssyncadd.s32 @!p0 s1  }
0x21d: {  	[bflag:$0x3] =	sbarrier.arrive $0xFFFF  }
0x21e: {  	_ =	shalt  }

</sc_bundles>
